<compile_context>
chip_gen: v7x
topology: tpu7x:2x2x1
jax: 0.10.2.dev20260603
libtpu: 0.0.44.dev20260713+nightly
codegen_flags: <defaults>
</compile_context>

<pallas_src>
import functools

import jax
import jax.numpy as jnp
from jax import lax
from jax.experimental import pallas as pl
from jax.experimental.pallas import tpu as pltpu
from jax.experimental.pallas import tpu_sc as plsc

_C0_FRAC = 0.78
_LANES = 16
_TILES = 16
_CORES = 2
_CHUNK = 128


def _z_matmul(x, w_all, w_root, bias2):
    n, in_ch = x.shape
    k = w_all.shape[1]
    out_ch = w_root.shape[1]
    bn = 2000
    assert n % bn == 0

    def body(x_ref, w_ref, wr_ref, b_ref, z_ref, r_ref):
        xb = x_ref[...]
        z_ref[...] = jnp.dot(xb, w_ref[...],
                             preferred_element_type=jnp.float32)
        r_ref[...] = jnp.dot(xb, wr_ref[...],
                             preferred_element_type=jnp.float32) + b_ref[...]

    return pl.pallas_call(
        body,
        grid=(n // bn,),
        in_specs=[
            pl.BlockSpec((bn, in_ch), lambda i: (i, 0)),
            pl.BlockSpec((in_ch, k), lambda i: (0, 0)),
            pl.BlockSpec((in_ch, out_ch), lambda i: (0, 0)),
            pl.BlockSpec((1, out_ch), lambda i: (0, 0)),
        ],
        out_specs=[
            pl.BlockSpec((bn, k), lambda i: (i, 0)),
            pl.BlockSpec((bn, out_ch), lambda i: (i, 0)),
        ],
        out_shape=[
            jax.ShapeDtypeStruct((n, k), jnp.float32),
            jax.ShapeDtypeStruct((n, out_ch), jnp.float32),
        ],
    )(x, w_all, w_root, bias2)


@functools.lru_cache(maxsize=None)
def _build_sc_agg(n_pad, out_ch, nrow_tile, cpt0, cpt1):
    mesh = plsc.VectorSubcoreMesh(core_axis_name="c", subcore_axis_name="s")
    ncopy = nrow_tile // _CHUNK
    vpr = out_ch // _LANES

    @functools.partial(
        pl.kernel,
        mesh=mesh,
        out_type=(
            jax.ShapeDtypeStruct((_CORES, n_pad, out_ch), jnp.float32),
            jax.ShapeDtypeStruct((_CORES, n_pad), jnp.float32),
        ),
        scratch_types=[
            pltpu.VMEM((_CHUNK, out_ch), jnp.float32),
            pltpu.VMEM((_CHUNK, out_ch), jnp.float32),
            pltpu.VMEM((_CHUNK,), jnp.int32),
            pltpu.VMEM((_CHUNK,), jnp.int32),
            pltpu.VMEM((_CHUNK,), jnp.int32),
            pltpu.VMEM((_CHUNK,), jnp.int32),
            pltpu.VMEM((_CHUNK,), jnp.float32),
            pltpu.VMEM((nrow_tile,), jnp.float32),
            pltpu.VMEM_SHARED((n_pad, out_ch), jnp.float32),
            pltpu.VMEM_SHARED((n_pad,), jnp.float32),
            pltpu.SemaphoreType.DMA,
            pltpu.SemaphoreType.DMA,
        ],
    )
    def sc_agg(z_hbm, gidx_hbm, dst_hbm, acc_hbm, deg_hbm,
               rows0_v, rows1_v, gidx0_v, gidx1_v, dst0_v, dst1_v,
               ones_v, dz_v, acc_sh, deg_sh, sem0, sem1):
        c = lax.axis_index("c")
        s = lax.axis_index("s")
        zeros16 = jnp.zeros((_LANES,), jnp.float32)
        ones16 = jnp.ones((_LANES,), jnp.float32)
        def _zero_row(i, carry):
            for j in range(vpr):
                rows0_v[i, pl.ds(j * _LANES, _LANES)] = zeros16
            return carry

        lax.fori_loop(0, _CHUNK, _zero_row, 0)
        for j in range(_CHUNK // _LANES):
            ones_v[pl.ds(j * _LANES, _LANES)] = ones16

        def _zero_d(i, carry):
            dz_v[pl.ds(i * _LANES, _LANES)] = zeros16
            return carry

        lax.fori_loop(0, nrow_tile // _LANES, _zero_d, 0)

        row0 = s * nrow_tile
        for j in range(ncopy):
            pltpu.sync_copy(rows0_v, acc_sh.at[pl.ds(row0 + j * _CHUNK, _CHUNK)])
        pltpu.sync_copy(dz_v, deg_sh.at[pl.ds(row0, nrow_tile)])

        my_cpt = jnp.where(c == 0, cpt0, cpt1)
        ebase = jnp.where(c == 0, s * cpt0,
                          _TILES * cpt0 + s * cpt1) * _CHUNK
        sets = ((rows0_v, gidx0_v, dst0_v, sem0),
                (rows1_v, gidx1_v, dst1_v, sem1))

        pltpu.sync_copy(gidx_hbm.at[pl.ds(ebase, _CHUNK)], gidx0_v)
        pltpu.sync_copy(dst_hbm.at[pl.ds(ebase, _CHUNK)], dst0_v)
        pltpu.async_copy(z_hbm.at[gidx0_v], rows0_v, sem0)
        plsc.subcore_barrier()

        def _pair(i, carry):
            for k in range(2):
                g = i * 2 + k
                rows_v, gidx_v, dst_v, sem = sets[k]
                rows_n, gidx_n, dst_n, sem_n = sets[1 - k]
                off = ebase + (g + 1) * _CHUNK
                pltpu.sync_copy(gidx_hbm.at[pl.ds(off, _CHUNK)], gidx_n)
                pltpu.sync_copy(dst_hbm.at[pl.ds(off, _CHUNK)], dst_n)
                pltpu.async_copy(z_hbm.at[gidx_n], rows_n, sem_n)
                pltpu.make_async_copy(z_hbm.at[gidx_v], rows_v, sem).wait()
                pltpu.sync_copy(rows_v, acc_sh.at[dst_v], add=True)
                pltpu.sync_copy(ones_v, deg_sh.at[dst_v], add=True)
            return carry

        lax.fori_loop(0, my_cpt // 2, _pair, 0)
        pltpu.make_async_copy(z_hbm.at[gidx0_v], rows0_v, sem0).wait()
        plsc.subcore_barrier()

        for j in range(ncopy):
            r = row0 + j * _CHUNK
            pltpu.sync_copy(acc_sh.at[pl.ds(r, _CHUNK)],
                            acc_hbm.at[c, pl.ds(r, _CHUNK)])
        pltpu.sync_copy(deg_sh.at[pl.ds(row0, nrow_tile)],
                        deg_hbm.at[c, pl.ds(row0, nrow_tile)])

    return sc_agg


def _finalize(acc, deg_t, root):
    ncores, n, out_ch = acc.shape
    bn = 2000
    assert n % bn == 0

    def body(a_ref, d_ref, r_ref, o_ref):
        a = a_ref[0] + a_ref[1]
        d = d_ref[...]
        dsum = d[:, 0:1] + d[:, 1:2]
        inv = 1.0 / jnp.maximum(dsum, 1.0)
        o_ref[...] = a * inv + r_ref[...]

    return pl.pallas_call(
        body,
        grid=(n // bn,),
        in_specs=[
            pl.BlockSpec((ncores, bn, out_ch), lambda i: (0, i, 0)),
            pl.BlockSpec((bn, ncores), lambda i: (i, 0)),
            pl.BlockSpec((bn, out_ch), lambda i: (i, 0)),
        ],
        out_specs=pl.BlockSpec((bn, out_ch), lambda i: (i, 0)),
        out_shape=jax.ShapeDtypeStruct((n, out_ch), jnp.float32),
    )(acc, deg_t, root)


def kernel(x, edge_index, num_nodes, edge_type, weight, comp, bias):
    n, in_ch = x.shape
    out_ch = weight.shape[-1]
    nrel, nbases = comp.shape
    e = edge_index.shape[1]

    src = edge_index[0]
    dst = jnp.minimum(edge_index[1], num_nodes - 1).astype(jnp.int32)
    gidx = (src * nrel + edge_type).astype(jnp.int32)

    w_rel = jnp.einsum("rb,bio->rio", comp, weight[:nbases])
    w_all = jnp.transpose(w_rel, (1, 0, 2)).reshape(in_ch, nrel * out_ch)

    z, root = _z_matmul(x, w_all, weight[-1], bias.reshape(1, out_ch))
    z = z.reshape(n * nrel, out_ch)

    nrow_tile = -(-(n + 1) // (_TILES * _CHUNK)) * _CHUNK
    n_pad = nrow_tile * _TILES
    pair_chunks = -(-e // (_TILES * _CHUNK))
    pair_chunks += pair_chunks % 2
    cpt0 = 2 * max(1, round(pair_chunks * _C0_FRAC / 2))
    cpt1 = pair_chunks - cpt0
    e_pad = _TILES * pair_chunks * _CHUNK
    pad = e_pad + _CHUNK - e
    gidx = jnp.concatenate([gidx, jnp.zeros((pad,), jnp.int32)])
    pad_dst = n + jnp.arange(pad, dtype=jnp.int32) % (n_pad - n)
    dst = jnp.concatenate([dst, pad_dst])

    acc, deg = _build_sc_agg(n_pad, out_ch, nrow_tile, cpt0, cpt1)(
        z, gidx, dst)

    return _finalize(acc[:, :n], deg[:, :n].T, root)

# --- scband reference (transcript-rebuilt; emitter-appended) ---
"""Pipeline reference for scband-rgcnconv-cu-graph-45724221833502 (READ-ONLY COPY).

The authoritative reference and input builder live on the scoring server;
editing this copy changes nothing except your own understanding.
"""

import jax, jax.numpy as jnp
import numpy as np

N = 10000
E = 320000
IN_CH = 128
OUT_CH = 128
NUM_REL = 8
NUM_BASES = 4

def setup_inputs(seed: int = 0) -> dict:
    key = jax.random.key(seed)
    k1, k2, k3, k4, k5 = jax.random.split(key, 5)
    x = jax.random.normal(k1, (N, IN_CH), dtype=jnp.float32)
    edge_index = jax.random.randint(k2, (2, E), 0, N, dtype=jnp.int32)
    edge_type = jax.random.randint(k3, (E,), 0, NUM_REL, dtype=jnp.int32)
    # weight: [num_bases + 1, in, out] (last slice is root weight)
    fan = IN_CH + OUT_CH
    weight = jax.random.uniform(k4, (NUM_BASES + 1, IN_CH, OUT_CH), dtype=jnp.float32,
                                minval=-jnp.sqrt(6.0 / fan), maxval=jnp.sqrt(6.0 / fan))
    comp = jax.random.uniform(k5, (NUM_REL, NUM_BASES), dtype=jnp.float32,
                              minval=-jnp.sqrt(6.0 / (NUM_REL + NUM_BASES)),
                              maxval=jnp.sqrt(6.0 / (NUM_REL + NUM_BASES)))
    bias = jnp.zeros((OUT_CH,), dtype=jnp.float32)
    return {"x": x, "edge_index": edge_index, "num_nodes": N, "edge_type": edge_type,
            "weight": weight, "comp": comp, "bias": bias}

def reference(x, edge_index, num_nodes, edge_type, weight, comp, bias):
    # Basis-decomposed RGCN aggregation (cugraph RGCNConvAgg equivalent):
    # for each basis b: agg_b[i] = mean over incoming edges e=(j->i) of comp[type_e, b] * x[j]
    # then concat root features, project with stacked basis weights, add bias.
    src = edge_index[0]
    dst = edge_index[1]
    dst = jnp.minimum(dst, num_nodes - 1)
    num_segments = x.shape[0]
    coeff = jnp.take(comp, edge_type, axis=0)            # [E, B] gather
    msgs = jnp.take(x, src, axis=0)                      # [E, IN] gather
    deg = jax.ops.segment_sum(jnp.ones((src.shape[0],), dtype=x.dtype), dst,
                              num_segments=num_segments) # [N]
    inv_deg = 1.0 / jnp.clip(deg, 1.0)                   # mean aggregation
    blocks = []
    for b in range(comp.shape[1]):
        agg_b = jax.ops.segment_sum(msgs * coeff[:, b:b + 1], dst,
                                    num_segments=num_segments)  # [N, IN] scatter-add
        blocks.append(agg_b * inv_deg[:, None])
    blocks.append(x)  # root features last, matching weight[-1] as root weight
    h = jnp.concatenate(blocks, axis=1)                  # [N, (B+1)*IN]
    out = h @ weight.reshape(-1, weight.shape[-1])       # [N, OUT]
    out = out + bias
    return out

if __name__ == "__main__":
    import jax
    _d = setup_inputs()
    print(jax.jit(kernel)(*tuple(_d.values())))

</pallas_src>

<mosaic_0001>
#map = affine_map<(d0, d1) -> (0, 0)>
#map1 = affine_map<(d0, d1) -> (0)>
#map2 = affine_map<(d0, d1) -> (0, 0, 0)>
module attributes {stable_mosaic.version = 14 : i64} {
  func.func @sc_agg(%arg0: i32, %arg1: i32, %arg2: memref<80000x128xf32, #tpu.memory_space<hbm>>, %arg3: memref<323712xi32, #tpu.memory_space<hbm>>, %arg4: memref<323712xi32, #tpu.memory_space<hbm>>, %arg5: memref<2x10240x128xf32, #tpu.memory_space<hbm>>, %arg6: memref<2x10240xf32, #tpu.memory_space<hbm>>, %arg7: memref<128x128xf32, #tpu.memory_space<vmem>>, %arg8: memref<128x128xf32, #tpu.memory_space<vmem>>, %arg9: memref<128xi32, #tpu.memory_space<vmem>>, %arg10: memref<128xi32, #tpu.memory_space<vmem>>, %arg11: memref<128xi32, #tpu.memory_space<vmem>>, %arg12: memref<128xi32, #tpu.memory_space<vmem>>, %arg13: memref<128xf32, #tpu.memory_space<vmem>>, %arg14: memref<640xf32, #tpu.memory_space<vmem>>, %arg15: memref<10240x128xf32, #tpu.memory_space<vmem_shared>>, %arg16: memref<10240xf32, #tpu.memory_space<vmem_shared>>, %arg17: memref<!tpu.dma_semaphore, #tpu.memory_space<semaphore_mem>>, %arg18: memref<!tpu.dma_semaphore, #tpu.memory_space<semaphore_mem>>) attributes {dimension_semantics = [#tpu.dimension_semantics<core_parallel>, #tpu.dimension_semantics<subcore_parallel>], iteration_bounds = array<i64: 2, 16>, scalar_prefetch = 0 : i64, scratch_operands = 12 : i64, tpu.core_type = #tpu.core_type<sc_vector_subcore>, window_params = [{transform_indices = #map}, {transform_indices = #map1}, {transform_indices = #map1}, {transform_indices = #map2}, {transform_indices = #map}]} {
    %broadcast_in_dim3A = arith.constant 0.000000e+00 : f32
    %broadcast_in_dim3A_0 = vector.broadcast %broadcast_in_dim3A : f32 to vector<16xf32>
    %broadcast_in_dim3A_1 = arith.constant 1.000000e+00 : f32
    %broadcast_in_dim3A_2 = vector.broadcast %broadcast_in_dim3A_1 : f32 to vector<16xf32>
    %scan3A = arith.constant 0 : i32
    %scan3A_3 = arith.constant 0 : i32
    %scan3A_4 = arith.constant 128 : i32
    %scan3A_5 = arith.addi %scan3A_3, %scan3A_4 : i32
    %scan3A_6 = arith.constant 1 : i32
    scf.for %scan3A_110 = %scan3A_3 to %scan3A_5 step %scan3A_6  : i32 {
      %swap3A_111 = arith.index_cast %scan3A_110 : i32 to index
      %swap3A_112 = arith.constant 0 : index
      %swap3A_113 = tpu.vector_load %arg7[%swap3A_111, %swap3A_112] {strides = array<i32>} : memref<128x128xf32, #tpu.memory_space<vmem>>, vector<1x16xf32>,
      %swap3A_114 = vector.shape_cast %swap3A_113 : vector<1x16xf32> to vector<16xf32>
      %swap3A_115 = vector.shape_cast %broadcast_in_dim3A_0 : vector<16xf32> to vector<1x16xf32>
      tpu.vector_store %arg7[%swap3A_111, %swap3A_112], %swap3A_115 {strides = array<i32>} : memref<128x128xf32, #tpu.memory_space<vmem>>, vector<1x16xf32>,
      %swap3A_116 = arith.index_cast %scan3A_110 : i32 to index
      %swap3A_117 = arith.constant 16 : index
      %swap3A_118 = tpu.vector_load %arg7[%swap3A_116, %swap3A_117] {strides = array<i32>} : memref<128x128xf32, #tpu.memory_space<vmem>>, vector<1x16xf32>,
      %swap3A_119 = vector.shape_cast %swap3A_118 : vector<1x16xf32> to vector<16xf32>
      %swap3A_120 = vector.shape_cast %broadcast_in_dim3A_0 : vector<16xf32> to vector<1x16xf32>
      tpu.vector_store %arg7[%swap3A_116, %swap3A_117], %swap3A_120 {strides = array<i32>} : memref<128x128xf32, #tpu.memory_space<vmem>>, vector<1x16xf32>,
      %swap3A_121 = arith.index_cast %scan3A_110 : i32 to index
      %swap3A_122 = arith.constant 32 : index
      %swap3A_123 = tpu.vector_load %arg7[%swap3A_121, %swap3A_122] {strides = array<i32>} : memref<128x128xf32, #tpu.memory_space<vmem>>, vector<1x16xf32>,
      %swap3A_124 = vector.shape_cast %swap3A_123 : vector<1x16xf32> to vector<16xf32>
      %swap3A_125 = vector.shape_cast %broadcast_in_dim3A_0 : vector<16xf32> to vector<1x16xf32>
      tpu.vector_store %arg7[%swap3A_121, %swap3A_122], %swap3A_125 {strides = array<i32>} : memref<128x128xf32, #tpu.memory_space<vmem>>, vector<1x16xf32>,
      %swap3A_126 = arith.index_cast %scan3A_110 : i32 to index
      %swap3A_127 = arith.constant 48 : index
      %swap3A_128 = tpu.vector_load %arg7[%swap3A_126, %swap3A_127] {strides = array<i32>} : memref<128x128xf32, #tpu.memory_space<vmem>>, vector<1x16xf32>,
      %swap3A_129 = vector.shape_cast %swap3A_128 : vector<1x16xf32> to vector<16xf32>
      %swap3A_130 = vector.shape_cast %broadcast_in_dim3A_0 : vector<16xf32> to vector<1x16xf32>
      tpu.vector_store %arg7[%swap3A_126, %swap3A_127], %swap3A_130 {strides = array<i32>} : memref<128x128xf32, #tpu.memory_space<vmem>>, vector<1x16xf32>,
      %swap3A_131 = arith.index_cast %scan3A_110 : i32 to index
      %swap3A_132 = arith.constant 64 : index
      %swap3A_133 = tpu.vector_load %arg7[%swap3A_131, %swap3A_132] {strides = array<i32>} : memref<128x128xf32, #tpu.memory_space<vmem>>, vector<1x16xf32>,
      %swap3A_134 = vector.shape_cast %swap3A_133 : vector<1x16xf32> to vector<16xf32>
      %swap3A_135 = vector.shape_cast %broadcast_in_dim3A_0 : vector<16xf32> to vector<1x16xf32>
      tpu.vector_store %arg7[%swap3A_131, %swap3A_132], %swap3A_135 {strides = array<i32>} : memref<128x128xf32, #tpu.memory_space<vmem>>, vector<1x16xf32>,
      %swap3A_136 = arith.index_cast %scan3A_110 : i32 to index
      %swap3A_137 = arith.constant 80 : index
      %swap3A_138 = tpu.vector_load %arg7[%swap3A_136, %swap3A_137] {strides = array<i32>} : memref<128x128xf32, #tpu.memory_space<vmem>>, vector<1x16xf32>,
      %swap3A_139 = vector.shape_cast %swap3A_138 : vector<1x16xf32> to vector<16xf32>
      %swap3A_140 = vector.shape_cast %broadcast_in_dim3A_0 : vector<16xf32> to vector<1x16xf32>
      tpu.vector_store %arg7[%swap3A_136, %swap3A_137], %swap3A_140 {strides = array<i32>} : memref<128x128xf32, #tpu.memory_space<vmem>>, vector<1x16xf32>,
      %swap3A_141 = arith.index_cast %scan3A_110 : i32 to index
      %swap3A_142 = arith.constant 96 : index
      %swap3A_143 = tpu.vector_load %arg7[%swap3A_141, %swap3A_142] {strides = array<i32>} : memref<128x128xf32, #tpu.memory_space<vmem>>, vector<1x16xf32>,
      %swap3A_144 = vector.shape_cast %swap3A_143 : vector<1x16xf32> to vector<16xf32>
      %swap3A_145 = vector.shape_cast %broadcast_in_dim3A_0 : vector<16xf32> to vector<1x16xf32>
      tpu.vector_store %arg7[%swap3A_141, %swap3A_142], %swap3A_145 {strides = array<i32>} : memref<128x128xf32, #tpu.memory_space<vmem>>, vector<1x16xf32>,
      %swap3A_146 = arith.index_cast %scan3A_110 : i32 to index
      %swap3A_147 = arith.constant 112 : index
      %swap3A_148 = tpu.vector_load %arg7[%swap3A_146, %swap3A_147] {strides = array<i32>} : memref<128x128xf32, #tpu.memory_space<vmem>>, vector<1x16xf32>,
      %swap3A_149 = vector.shape_cast %swap3A_148 : vector<1x16xf32> to vector<16xf32>
      %swap3A_150 = vector.shape_cast %broadcast_in_dim3A_0 : vector<16xf32> to vector<1x16xf32>
      tpu.vector_store %arg7[%swap3A_146, %swap3A_147], %swap3A_150 {strides = array<i32>} : memref<128x128xf32, #tpu.memory_space<vmem>>, vector<1x16xf32>,
    }
    %scan3A_7 = arith.constant 128 : i32
    %swap3A = arith.constant 0 : index
    %swap3A_8 = tpu.vector_load %arg13[%swap3A] {strides = array<i32>} : memref<128xf32, #tpu.memory_space<vmem>>, vector<16xf32>,
    %swap3A_9 = vector.shape_cast %swap3A_8 : vector<16xf32> to vector<16xf32>
    %swap3A_10 = vector.shape_cast %broadcast_in_dim3A_2 : vector<16xf32> to vector<16xf32>
    tpu.vector_store %arg13[%swap3A], %swap3A_10 {strides = array<i32>} : memref<128xf32, #tpu.memory_space<vmem>>, vector<16xf32>,
    %swap3A_11 = arith.constant 16 : index
    %swap3A_12 = tpu.vector_load %arg13[%swap3A_11] {strides = array<i32>} : memref<128xf32, #tpu.memory_space<vmem>>, vector<16xf32>,
    %swap3A_13 = vector.shape_cast %swap3A_12 : vector<16xf32> to vector<16xf32>
    %swap3A_14 = vector.shape_cast %broadcast_in_dim3A_2 : vector<16xf32> to vector<16xf32>
    tpu.vector_store %arg13[%swap3A_11], %swap3A_14 {strides = array<i32>} : memref<128xf32, #tpu.memory_space<vmem>>, vector<16xf32>,
    %swap3A_15 = arith.constant 32 : index
    %swap3A_16 = tpu.vector_load %arg13[%swap3A_15] {strides = array<i32>} : memref<128xf32, #tpu.memory_space<vmem>>, vector<16xf32>,
    %swap3A_17 = vector.shape_cast %swap3A_16 : vector<16xf32> to vector<16xf32>
    %swap3A_18 = vector.shape_cast %broadcast_in_dim3A_2 : vector<16xf32> to vector<16xf32>
    tpu.vector_store %arg13[%swap3A_15], %swap3A_18 {strides = array<i32>} : memref<128xf32, #tpu.memory_space<vmem>>, vector<16xf32>,
    %swap3A_19 = arith.constant 48 : index
    %swap3A_20 = tpu.vector_load %arg13[%swap3A_19] {strides = array<i32>} : memref<128xf32, #tpu.memory_space<vmem>>, vector<16xf32>,
    %swap3A_21 = vector.shape_cast %swap3A_20 : vector<16xf32> to vector<16xf32>
    %swap3A_22 = vector.shape_cast %broadcast_in_dim3A_2 : vector<16xf32> to vector<16xf32>
    tpu.vector_store %arg13[%swap3A_19], %swap3A_22 {strides = array<i32>} : memref<128xf32, #tpu.memory_space<vmem>>, vector<16xf32>,
    %swap3A_23 = arith.constant 64 : index
    %swap3A_24 = tpu.vector_load %arg13[%swap3A_23] {strides = array<i32>} : memref<128xf32, #tpu.memory_space<vmem>>, vector<16xf32>,
    %swap3A_25 = vector.shape_cast %swap3A_24 : vector<16xf32> to vector<16xf32>
    %swap3A_26 = vector.shape_cast %broadcast_in_dim3A_2 : vector<16xf32> to vector<16xf32>
    tpu.vector_store %arg13[%swap3A_23], %swap3A_26 {strides = array<i32>} : memref<128xf32, #tpu.memory_space<vmem>>, vector<16xf32>,
    %swap3A_27 = arith.constant 80 : index
    %swap3A_28 = tpu.vector_load %arg13[%swap3A_27] {strides = array<i32>} : memref<128xf32, #tpu.memory_space<vmem>>, vector<16xf32>,
    %swap3A_29 = vector.shape_cast %swap3A_28 : vector<16xf32> to vector<16xf32>
    %swap3A_30 = vector.shape_cast %broadcast_in_dim3A_2 : vector<16xf32> to vector<16xf32>
    tpu.vector_store %arg13[%swap3A_27], %swap3A_30 {strides = array<i32>} : memref<128xf32, #tpu.memory_space<vmem>>, vector<16xf32>,
    %swap3A_31 = arith.constant 96 : index
    %swap3A_32 = tpu.vector_load %arg13[%swap3A_31] {strides = array<i32>} : memref<128xf32, #tpu.memory_space<vmem>>, vector<16xf32>,
    %swap3A_33 = vector.shape_cast %swap3A_32 : vector<16xf32> to vector<16xf32>
    %swap3A_34 = vector.shape_cast %broadcast_in_dim3A_2 : vector<16xf32> to vector<16xf32>
    tpu.vector_store %arg13[%swap3A_31], %swap3A_34 {strides = array<i32>} : memref<128xf32, #tpu.memory_space<vmem>>, vector<16xf32>,
    %swap3A_35 = arith.constant 112 : index
    %swap3A_36 = tpu.vector_load %arg13[%swap3A_35] {strides = array<i32>} : memref<128xf32, #tpu.memory_space<vmem>>, vector<16xf32>,
    %swap3A_37 = vector.shape_cast %swap3A_36 : vector<16xf32> to vector<16xf32>
    %swap3A_38 = vector.shape_cast %broadcast_in_dim3A_2 : vector<16xf32> to vector<16xf32>
    tpu.vector_store %arg13[%swap3A_35], %swap3A_38 {strides = array<i32>} : memref<128xf32, #tpu.memory_space<vmem>>, vector<16xf32>,
    %scan3A_39 = arith.constant 0 : i32
    %scan3A_40 = arith.constant 0 : i32
    %scan3A_41 = arith.constant 40 : i32
    %scan3A_42 = arith.addi %scan3A_40, %scan3A_41 : i32
    %scan3A_43 = arith.constant 1 : i32
    scf.for %scan3A_110 = %scan3A_40 to %scan3A_42 step %scan3A_43  : i32 {
      %mul3A_111 = arith.constant 16 : i32
      %mul3A_112 = arith.muli %scan3A_110, %mul3A_111 : i32
      %swap3A_113 = arith.index_cast %mul3A_112 : i32 to index
      %swap3A_114 = tpu.vector_load %arg14[%swap3A_113] {strides = array<i32>} : memref<640xf32, #tpu.memory_space<vmem>>, vector<16xf32>,
      %swap3A_115 = vector.shape_cast %swap3A_114 : vector<16xf32> to vector<16xf32>
      %swap3A_116 = vector.shape_cast %broadcast_in_dim3A_0 : vector<16xf32> to vector<16xf32>
      tpu.vector_store %arg14[%swap3A_113], %swap3A_116 {strides = array<i32>} : memref<640xf32, #tpu.memory_space<vmem>>, vector<16xf32>,
    }
    %scan3A_44 = arith.constant 40 : i32
    %mul3A = arith.constant 640 : i32
    %mul3A_45 = arith.muli %arg1, %mul3A : i32
    %add3A = arith.constant 0 : i32
    %add3A_46 = arith.addi %mul3A_45, %add3A : i32
    "tpu.region"() ({
      %run_scoped3A = tpu.sem_alloc : memref<!tpu.dma_semaphore, #tpu.memory_space<semaphore_mem>>
      %dma_start3A_110 = arith.constant 0 : i32
      %dma_start3A_111 = tpu.memref_slice %arg15[%add3A_46, %dma_start3A_110] : memref<10240x128xf32, #tpu.memory_space<vmem_shared>> -> memref<128x128xf32, #tpu.memory_space<vmem_shared>>
      %dma_start3A_112 = arith.constant 0 : i32
      %dma_start3A_113 = tpu.memref_slice %arg15[%add3A_46, %dma_start3A_112] : memref<10240x128xf32, #tpu.memory_space<vmem_shared>> -> memref<128x128xf32, #tpu.memory_space<vmem_shared>>
      tpu.enqueue_dma source(%arg7 : memref<128x128xf32, #tpu.memory_space<vmem>>) target(%dma_start3A_113 : memref<128x128xf32, #tpu.memory_space<vmem_shared>>) target_semaphore(%run_scoped3A : memref<!tpu.dma_semaphore, #tpu.memory_space<semaphore_mem>>)
      %dma_wait3A_114 = arith.constant 0 : i32
      %dma_wait3A_115 = tpu.memref_slice %arg15[%add3A_46, %dma_wait3A_114] : memref<10240x128xf32, #tpu.memory_space<vmem_shared>> -> memref<128x128xf32, #tpu.memory_space<vmem_shared>>
      %dma_wait3A_116 = arith.constant 0 : i32
      %dma_wait3A_117 = tpu.memref_slice %arg15[%add3A_46, %dma_wait3A_116] : memref<10240x128xf32, #tpu.memory_space<vmem_shared>> -> memref<128x128xf32, #tpu.memory_space<vmem_shared>>
      tpu.wait_dma2 semaphore(%run_scoped3A : memref<!tpu.dma_semaphore, #tpu.memory_space<semaphore_mem>>) src(%arg7 : memref<128x128xf32, #tpu.memory_space<vmem>>) dst(%dma_wait3A_117 : memref<128x128xf32, #tpu.memory_space<vmem_shared>>)
      tpu.yield
    }) : () -> ()
    %add3A_47 = arith.constant 128 : i32
    %add3A_48 = arith.addi %mul3A_45, %add3A_47 : i32
    "tpu.region"() ({
      %run_scoped3A = tpu.sem_alloc : memref<!tpu.dma_semaphore, #tpu.memory_space<semaphore_mem>>
      %dma_start3A_110 = arith.constant 0 : i32
      %dma_start3A_111 = tpu.memref_slice %arg15[%add3A_48, %dma_start3A_110] : memref<10240x128xf32, #tpu.memory_space<vmem_shared>> -> memref<128x128xf32, #tpu.memory_space<vmem_shared>>
      %dma_start3A_112 = arith.constant 0 : i32
      %dma_start3A_113 = tpu.memref_slice %arg15[%add3A_48, %dma_start3A_112] : memref<10240x128xf32, #tpu.memory_space<vmem_shared>> -> memref<128x128xf32, #tpu.memory_space<vmem_shared>>
      tpu.enqueue_dma source(%arg7 : memref<128x128xf32, #tpu.memory_space<vmem>>) target(%dma_start3A_113 : memref<128x128xf32, #tpu.memory_space<vmem_shared>>) target_semaphore(%run_scoped3A : memref<!tpu.dma_semaphore, #tpu.memory_space<semaphore_mem>>)
      %dma_wait3A_114 = arith.constant 0 : i32
      %dma_wait3A_115 = tpu.memref_slice %arg15[%add3A_48, %dma_wait3A_114] : memref<10240x128xf32, #tpu.memory_space<vmem_shared>> -> memref<128x128xf32, #tpu.memory_space<vmem_shared>>
      %dma_wait3A_116 = arith.constant 0 : i32
      %dma_wait3A_117 = tpu.memref_slice %arg15[%add3A_48, %dma_wait3A_116] : memref<10240x128xf32, #tpu.memory_space<vmem_shared>> -> memref<128x128xf32, #tpu.memory_space<vmem_shared>>
      tpu.wait_dma2 semaphore(%run_scoped3A : memref<!tpu.dma_semaphore, #tpu.memory_space<semaphore_mem>>) src(%arg7 : memref<128x128xf32, #tpu.memory_space<vmem>>) dst(%dma_wait3A_117 : memref<128x128xf32, #tpu.memory_space<vmem_shared>>)
      tpu.yield
    }) : () -> ()
    %add3A_49 = arith.constant 256 : i32
    %add3A_50 = arith.addi %mul3A_45, %add3A_49 : i32
    "tpu.region"() ({
      %run_scoped3A = tpu.sem_alloc : memref<!tpu.dma_semaphore, #tpu.memory_space<semaphore_mem>>
      %dma_start3A_110 = arith.constant 0 : i32
      %dma_start3A_111 = tpu.memref_slice %arg15[%add3A_50, %dma_start3A_110] : memref<10240x128xf32, #tpu.memory_space<vmem_shared>> -> memref<128x128xf32, #tpu.memory_space<vmem_shared>>
      %dma_start3A_112 = arith.constant 0 : i32
      %dma_start3A_113 = tpu.memref_slice %arg15[%add3A_50, %dma_start3A_112] : memref<10240x128xf32, #tpu.memory_space<vmem_shared>> -> memref<128x128xf32, #tpu.memory_space<vmem_shared>>
      tpu.enqueue_dma source(%arg7 : memref<128x128xf32, #tpu.memory_space<vmem>>) target(%dma_start3A_113 : memref<128x128xf32, #tpu.memory_space<vmem_shared>>) target_semaphore(%run_scoped3A : memref<!tpu.dma_semaphore, #tpu.memory_space<semaphore_mem>>)
      %dma_wait3A_114 = arith.constant 0 : i32
      %dma_wait3A_115 = tpu.memref_slice %arg15[%add3A_50, %dma_wait3A_114] : memref<10240x128xf32, #tpu.memory_space<vmem_shared>> -> memref<128x128xf32, #tpu.memory_space<vmem_shared>>
      %dma_wait3A_116 = arith.constant 0 : i32
      %dma_wait3A_117 = tpu.memref_slice %arg15[%add3A_50, %dma_wait3A_116] : memref<10240x128xf32, #tpu.memory_space<vmem_shared>> -> memref<128x128xf32, #tpu.memory_space<vmem_shared>>
      tpu.wait_dma2 semaphore(%run_scoped3A : memref<!tpu.dma_semaphore, #tpu.memory_space<semaphore_mem>>) src(%arg7 : memref<128x128xf32, #tpu.memory_space<vmem>>) dst(%dma_wait3A_117 : memref<128x128xf32, #tpu.memory_space<vmem_shared>>)
      tpu.yield
    }) : () -> ()
    %add3A_51 = arith.constant 384 : i32
    %add3A_52 = arith.addi %mul3A_45, %add3A_51 : i32
    "tpu.region"() ({
      %run_scoped3A = tpu.sem_alloc : memref<!tpu.dma_semaphore, #tpu.memory_space<semaphore_mem>>
      %dma_start3A_110 = arith.constant 0 : i32
      %dma_start3A_111 = tpu.memref_slice %arg15[%add3A_52, %dma_start3A_110] : memref<10240x128xf32, #tpu.memory_space<vmem_shared>> -> memref<128x128xf32, #tpu.memory_space<vmem_shared>>
      %dma_start3A_112 = arith.constant 0 : i32
      %dma_start3A_113 = tpu.memref_slice %arg15[%add3A_52, %dma_start3A_112] : memref<10240x128xf32, #tpu.memory_space<vmem_shared>> -> memref<128x128xf32, #tpu.memory_space<vmem_shared>>
      tpu.enqueue_dma source(%arg7 : memref<128x128xf32, #tpu.memory_space<vmem>>) target(%dma_start3A_113 : memref<128x128xf32, #tpu.memory_space<vmem_shared>>) target_semaphore(%run_scoped3A : memref<!tpu.dma_semaphore, #tpu.memory_space<semaphore_mem>>)
      %dma_wait3A_114 = arith.constant 0 : i32
      %dma_wait3A_115 = tpu.memref_slice %arg15[%add3A_52, %dma_wait3A_114] : memref<10240x128xf32, #tpu.memory_space<vmem_shared>> -> memref<128x128xf32, #tpu.memory_space<vmem_shared>>
      %dma_wait3A_116 = arith.constant 0 : i32
      %dma_wait3A_117 = tpu.memref_slice %arg15[%add3A_52, %dma_wait3A_116] : memref<10240x128xf32, #tpu.memory_space<vmem_shared>> -> memref<128x128xf32, #tpu.memory_space<vmem_shared>>
      tpu.wait_dma2 semaphore(%run_scoped3A : memref<!tpu.dma_semaphore, #tpu.memory_space<semaphore_mem>>) src(%arg7 : memref<128x128xf32, #tpu.memory_space<vmem>>) dst(%dma_wait3A_117 : memref<128x128xf32, #tpu.memory_space<vmem_shared>>)
      tpu.yield
    }) : () -> ()
    %add3A_53 = arith.constant 512 : i32
    %add3A_54 = arith.addi %mul3A_45, %add3A_53 : i32
    "tpu.region"() ({
      %run_scoped3A = tpu.sem_alloc : memref<!tpu.dma_semaphore, #tpu.memory_space<semaphore_mem>>
      %dma_start3A_110 = arith.constant 0 : i32
      %dma_start3A_111 = tpu.memref_slice %arg15[%add3A_54, %dma_start3A_110] : memref<10240x128xf32, #tpu.memory_space<vmem_shared>> -> memref<128x128xf32, #tpu.memory_space<vmem_shared>>
      %dma_start3A_112 = arith.constant 0 : i32
      %dma_start3A_113 = tpu.memref_slice %arg15[%add3A_54, %dma_start3A_112] : memref<10240x128xf32, #tpu.memory_space<vmem_shared>> -> memref<128x128xf32, #tpu.memory_space<vmem_shared>>
      tpu.enqueue_dma source(%arg7 : memref<128x128xf32, #tpu.memory_space<vmem>>) target(%dma_start3A_113 : memref<128x128xf32, #tpu.memory_space<vmem_shared>>) target_semaphore(%run_scoped3A : memref<!tpu.dma_semaphore, #tpu.memory_space<semaphore_mem>>)
      %dma_wait3A_114 = arith.constant 0 : i32
      %dma_wait3A_115 = tpu.memref_slice %arg15[%add3A_54, %dma_wait3A_114] : memref<10240x128xf32, #tpu.memory_space<vmem_shared>> -> memref<128x128xf32, #tpu.memory_space<vmem_shared>>
      %dma_wait3A_116 = arith.constant 0 : i32
      %dma_wait3A_117 = tpu.memref_slice %arg15[%add3A_54, %dma_wait3A_116] : memref<10240x128xf32, #tpu.memory_space<vmem_shared>> -> memref<128x128xf32, #tpu.memory_space<vmem_shared>>
      tpu.wait_dma2 semaphore(%run_scoped3A : memref<!tpu.dma_semaphore, #tpu.memory_space<semaphore_mem>>) src(%arg7 : memref<128x128xf32, #tpu.memory_space<vmem>>) dst(%dma_wait3A_117 : memref<128x128xf32, #tpu.memory_space<vmem_shared>>)
      tpu.yield
    }) : () -> ()
    "tpu.region"() ({
      %run_scoped3A = tpu.sem_alloc : memref<!tpu.dma_semaphore, #tpu.memory_space<semaphore_mem>>
      %dma_start3A_110 = tpu.memref_slice %arg16[%mul3A_45] : memref<10240xf32, #tpu.memory_space<vmem_shared>> -> memref<640xf32, #tpu.memory_space<vmem_shared>>
      %dma_start3A_111 = tpu.memref_slice %arg16[%mul3A_45] : memref<10240xf32, #tpu.memory_space<vmem_shared>> -> memref<640xf32, #tpu.memory_space<vmem_shared>>
      tpu.enqueue_dma source(%arg14 : memref<640xf32, #tpu.memory_space<vmem>>) target(%dma_start3A_111 : memref<640xf32, #tpu.memory_space<vmem_shared>>) target_semaphore(%run_scoped3A : memref<!tpu.dma_semaphore, #tpu.memory_space<semaphore_mem>>)
      %dma_wait3A_112 = tpu.memref_slice %arg16[%mul3A_45] : memref<10240xf32, #tpu.memory_space<vmem_shared>> -> memref<640xf32, #tpu.memory_space<vmem_shared>>
      %dma_wait3A_113 = tpu.memref_slice %arg16[%mul3A_45] : memref<10240xf32, #tpu.memory_space<vmem_shared>> -> memref<640xf32, #tpu.memory_space<vmem_shared>>
      tpu.wait_dma2 semaphore(%run_scoped3A : memref<!tpu.dma_semaphore, #tpu.memory_space<semaphore_mem>>) src(%arg14 : memref<640xf32, #tpu.memory_space<vmem>>) dst(%dma_wait3A_113 : memref<640xf32, #tpu.memory_space<vmem_shared>>)
      tpu.yield
    }) : () -> ()
    %eq3A = arith.constant 0 : i32
    %eq3A_55 = arith.cmpi eq, %arg0, %eq3A : i32
    %jit3A = arith.constant 124 : i32
    %jit3A_56 = arith.constant 34 : i32
    %select_n3A = arith.select %eq3A_55, %jit3A, %jit3A_56 : i32
    %eq3A_57 = arith.constant 0 : i32
    %eq3A_58 = arith.cmpi eq, %arg0, %eq3A_57 : i32
    %mul3A_59 = arith.constant 124 : i32
    %mul3A_60 = arith.muli %arg1, %mul3A_59 : i32
    %mul3A_61 = arith.constant 34 : i32
    %mul3A_62 = arith.muli %arg1, %mul3A_61 : i32
    %add3A_63 = arith.constant 1984 : i32
    %add3A_64 = arith.addi %add3A_63, %mul3A_62 : i32
    %select_n3A_65 = arith.select %eq3A_58, %mul3A_60, %add3A_64 : i32
    %mul3A_66 = arith.constant 128 : i32
    %mul3A_67 = arith.muli %select_n3A_65, %mul3A_66 : i32
    "tpu.region"() ({
      %run_scoped3A = tpu.sem_alloc : memref<!tpu.dma_semaphore, #tpu.memory_space<semaphore_mem>>
      %dma_start3A_110 = tpu.memref_slice %arg3[%mul3A_67] : memref<323712xi32, #tpu.memory_space<hbm>> -> memref<128xi32, #tpu.memory_space<hbm>>
      %dma_start3A_111 = tpu.memref_slice %arg3[%mul3A_67] : memref<323712xi32, #tpu.memory_space<hbm>> -> memref<128xi32, #tpu.memory_space<hbm>>
      tpu.enqueue_dma source(%dma_start3A_111 : memref<128xi32, #tpu.memory_space<hbm>>) target(%arg9 : memref<128xi32, #tpu.memory_space<vmem>>) target_semaphore(%run_scoped3A : memref<!tpu.dma_semaphore, #tpu.memory_space<semaphore_mem>>)
      %dma_wait3A_112 = tpu.memref_slice %arg3[%mul3A_67] : memref<323712xi32, #tpu.memory_space<hbm>> -> memref<128xi32, #tpu.memory_space<hbm>>
      %dma_wait3A_113 = tpu.memref_slice %arg3[%mul3A_67] : memref<323712xi32, #tpu.memory_space<hbm>> -> memref<128xi32, #tpu.memory_space<hbm>>
      tpu.wait_dma2 semaphore(%run_scoped3A : memref<!tpu.dma_semaphore, #tpu.memory_space<semaphore_mem>>) src(%dma_wait3A_113 : memref<128xi32, #tpu.memory_space<hbm>>) dst(%arg9 : memref<128xi32, #tpu.memory_space<vmem>>)
      tpu.yield
    }) : () -> ()
    "tpu.region"() ({
      %run_scoped3A = tpu.sem_alloc : memref<!tpu.dma_semaphore, #tpu.memory_space<semaphore_mem>>
      %dma_start3A_110 = tpu.memref_slice %arg4[%mul3A_67] : memref<323712xi32, #tpu.memory_space<hbm>> -> memref<128xi32, #tpu.memory_space<hbm>>
      %dma_start3A_111 = tpu.memref_slice %arg4[%mul3A_67] : memref<323712xi32, #tpu.memory_space<hbm>> -> memref<128xi32, #tpu.memory_space<hbm>>
      tpu.enqueue_dma source(%dma_start3A_111 : memref<128xi32, #tpu.memory_space<hbm>>) target(%arg11 : memref<128xi32, #tpu.memory_space<vmem>>) target_semaphore(%run_scoped3A : memref<!tpu.dma_semaphore, #tpu.memory_space<semaphore_mem>>)
      %dma_wait3A_112 = tpu.memref_slice %arg4[%mul3A_67] : memref<323712xi32, #tpu.memory_space<hbm>> -> memref<128xi32, #tpu.memory_space<hbm>>
      %dma_wait3A_113 = tpu.memref_slice %arg4[%mul3A_67] : memref<323712xi32, #tpu.memory_space<hbm>> -> memref<128xi32, #tpu.memory_space<hbm>>
      tpu.wait_dma2 semaphore(%run_scoped3A : memref<!tpu.dma_semaphore, #tpu.memory_space<semaphore_mem>>) src(%dma_wait3A_113 : memref<128xi32, #tpu.memory_space<hbm>>) dst(%arg11 : memref<128xi32, #tpu.memory_space<vmem>>)
      tpu.yield
    }) : () -> ()
    %dma_start3A = arith.constant 0 : i32
    %dma_start3A_68 = arith.constant 0 : i32
    %dma_start3A_69 = tpu.memref_slice %arg2[%dma_start3A, %dma_start3A_68] : memref<80000x128xf32, #tpu.memory_space<hbm>> -> memref<80000x128xf32, #tpu.memory_space<hbm>>
    tpu.enqueue_indirect_dma source(%dma_start3A_69 : memref<80000x128xf32, #tpu.memory_space<hbm>>) target(%arg7 : memref<128x128xf32, #tpu.memory_space<vmem>>) offsets(%arg9 : memref<128xi32, #tpu.memory_space<vmem>>) semaphore(%arg17 : memref<!tpu.dma_semaphore, #tpu.memory_space<semaphore_mem>>)
    %barrier3A = arith.constant 0 : index
    tpu.barrier barrier_id(%barrier3A)
    %jit3A_70 = arith.constant 2 : i32
    %div3A = arith.divsi %select_n3A, %jit3A_70 : i32
    %sign3A = arith.constant 0 : i32
    %sign3A_71 = arith.cmpi sgt, %select_n3A, %sign3A : i32
    %sign3A_72 = arith.extui %sign3A_71 : i1 to i32
    %sign3A_73 = arith.constant 0 : i32
    %sign3A_74 = arith.cmpi slt, %select_n3A, %sign3A_73 : i32
    %sign3A_75 = arith.extui %sign3A_74 : i1 to i32
    %sign3A_76 = arith.subi %sign3A_72, %sign3A_75 : i32
    %sign3A_77 = arith.constant 0 : i32
    %sign3A_78 = arith.cmpi sgt, %jit3A_70, %sign3A_77 : i32
    %sign3A_79 = arith.extui %sign3A_78 : i1 to i32
    %sign3A_80 = arith.constant 0 : i32
    %sign3A_81 = arith.cmpi slt, %jit3A_70, %sign3A_80 : i32
    %sign3A_82 = arith.extui %sign3A_81 : i1 to i32
    %sign3A_83 = arith.subi %sign3A_79, %sign3A_82 : i32
    %ne3A = arith.cmpi ne, %sign3A_76, %sign3A_83 : i32
    %rem3A = arith.remsi %select_n3A, %jit3A_70 : i32
    %ne3A_84 = arith.constant 0 : i32
    %ne3A_85 = arith.cmpi ne, %rem3A, %ne3A_84 : i32
    %and3A = arith.andi %ne3A, %ne3A_85 : i1
    %sub3A = arith.constant 1 : i32
    %sub3A_86 = arith.subi %div3A, %sub3A : i32
    %select_n3A_87 = arith.select %and3A, %sub3A_86, %div3A : i32
    %while3A = arith.constant 0 : i32
    %while3A_88 = arith.constant 0 : i32
    %while3A_89 = arith.subi %select_n3A_87, %while3A_88 : i32
    %while3A_90 = arith.addi %while3A_88, %while3A_89 : i32
    %while3A_91 = arith.constant 1 : i32
    %while3A_92 = arith.divsi %while3A_89, %while3A_91 : i32
    %while3A_93 = arith.muli %while3A_92, %while3A_91 : i32
    %while3A_94 = arith.addi %while3A_88, %while3A_93 : i32
    %while3A_95 = arith.constant 1 : i32
    scf.for %while3A_110 = %while3A_88 to %while3A_94 step %while3A_95  : i32 {
      %mul3A_111 = arith.constant 2 : i32
      %mul3A_112 = arith.muli %while3A_110, %mul3A_111 : i32
      %add3A_113 = arith.constant 0 : i32
      %add3A_114 = arith.addi %mul3A_112, %add3A_113 : i32
      %add3A_115 = arith.constant 1 : i32
      %add3A_116 = arith.addi %add3A_114, %add3A_115 : i32
      %mul3A_117 = arith.constant 128 : i32
      %mul3A_118 = arith.muli %add3A_116, %mul3A_117 : i32
      %add3A_119 = arith.addi %mul3A_67, %mul3A_118 : i32
      "tpu.region"() ({
        %run_scoped3A = tpu.sem_alloc : memref<!tpu.dma_semaphore, #tpu.memory_space<semaphore_mem>>
        %dma_start3A_141 = tpu.memref_slice %arg3[%add3A_119] : memref<323712xi32, #tpu.memory_space<hbm>> -> memref<128xi32, #tpu.memory_space<hbm>>
        %dma_start3A_142 = tpu.memref_slice %arg3[%add3A_119] : memref<323712xi32, #tpu.memory_space<hbm>> -> memref<128xi32, #tpu.memory_space<hbm>>
        tpu.enqueue_dma source(%dma_start3A_142 : memref<128xi32, #tpu.memory_space<hbm>>) target(%arg10 : memref<128xi32, #tpu.memory_space<vmem>>) target_semaphore(%run_scoped3A : memref<!tpu.dma_semaphore, #tpu.memory_space<semaphore_mem>>)
        %dma_wait3A_143 = tpu.memref_slice %arg3[%add3A_119] : memref<323712xi32, #tpu.memory_space<hbm>> -> memref<128xi32, #tpu.memory_space<hbm>>
        %dma_wait3A_144 = tpu.memref_slice %arg3[%add3A_119] : memref<323712xi32, #tpu.memory_space<hbm>> -> memref<128xi32, #tpu.memory_space<hbm>>
        tpu.wait_dma2 semaphore(%run_scoped3A : memref<!tpu.dma_semaphore, #tpu.memory_space<semaphore_mem>>) src(%dma_wait3A_144 : memref<128xi32, #tpu.memory_space<hbm>>) dst(%arg10 : memref<128xi32, #tpu.memory_space<vmem>>)
        tpu.yield
      }) : () -> ()
      "tpu.region"() ({
        %run_scoped3A = tpu.sem_alloc : memref<!tpu.dma_semaphore, #tpu.memory_space<semaphore_mem>>
        %dma_start3A_141 = tpu.memref_slice %arg4[%add3A_119] : memref<323712xi32, #tpu.memory_space<hbm>> -> memref<128xi32, #tpu.memory_space<hbm>>
        %dma_start3A_142 = tpu.memref_slice %arg4[%add3A_119] : memref<323712xi32, #tpu.memory_space<hbm>> -> memref<128xi32, #tpu.memory_space<hbm>>
        tpu.enqueue_dma source(%dma_start3A_142 : memref<128xi32, #tpu.memory_space<hbm>>) target(%arg12 : memref<128xi32, #tpu.memory_space<vmem>>) target_semaphore(%run_scoped3A : memref<!tpu.dma_semaphore, #tpu.memory_space<semaphore_mem>>)
        %dma_wait3A_143 = tpu.memref_slice %arg4[%add3A_119] : memref<323712xi32, #tpu.memory_space<hbm>> -> memref<128xi32, #tpu.memory_space<hbm>>
        %dma_wait3A_144 = tpu.memref_slice %arg4[%add3A_119] : memref<323712xi32, #tpu.memory_space<hbm>> -> memref<128xi32, #tpu.memory_space<hbm>>
        tpu.wait_dma2 semaphore(%run_scoped3A : memref<!tpu.dma_semaphore, #tpu.memory_space<semaphore_mem>>) src(%dma_wait3A_144 : memref<128xi32, #tpu.memory_space<hbm>>) dst(%arg12 : memref<128xi32, #tpu.memory_space<vmem>>)
        tpu.yield
      }) : () -> ()
      %dma_start3A_120 = arith.constant 0 : i32
      %dma_start3A_121 = arith.constant 0 : i32
      %dma_start3A_122 = tpu.memref_slice %arg2[%dma_start3A_120, %dma_start3A_121] : memref<80000x128xf32, #tpu.memory_space<hbm>> -> memref<80000x128xf32, #tpu.memory_space<hbm>>
      tpu.enqueue_indirect_dma source(%dma_start3A_122 : memref<80000x128xf32, #tpu.memory_space<hbm>>) target(%arg8 : memref<128x128xf32, #tpu.memory_space<vmem>>) offsets(%arg10 : memref<128xi32, #tpu.memory_space<vmem>>) semaphore(%arg18 : memref<!tpu.dma_semaphore, #tpu.memory_space<semaphore_mem>>)
      %dma_wait3A_123 = arith.constant 0 : i32
      %dma_wait3A_124 = arith.constant 0 : i32
      %dma_wait3A_125 = tpu.memref_slice %arg2[%dma_wait3A_123, %dma_wait3A_124] : memref<80000x128xf32, #tpu.memory_space<hbm>> -> memref<80000x128xf32, #tpu.memory_space<hbm>>
      tpu.wait_indirect_dma semaphore(%arg17 : memref<!tpu.dma_semaphore, #tpu.memory_space<semaphore_mem>>) src(%dma_wait3A_125 : memref<80000x128xf32, #tpu.memory_space<hbm>>) dst(%arg7 : memref<128x128xf32, #tpu.memory_space<vmem>>)
      "tpu.region"() ({
        %run_scoped3A = tpu.sem_alloc : memref<!tpu.dma_semaphore, #tpu.memory_space<semaphore_mem>>
        %dma_start3A_141 = arith.constant 0 : i32
        %dma_start3A_142 = arith.constant 0 : i32
        %dma_start3A_143 = tpu.memref_slice %arg15[%dma_start3A_141, %dma_start3A_142] : memref<10240x128xf32, #tpu.memory_space<vmem_shared>> -> memref<10240x128xf32, #tpu.memory_space<vmem_shared>>
        tpu.enqueue_indirect_dma source(%arg7 : memref<128x128xf32, #tpu.memory_space<vmem>>) target(%dma_start3A_143 : memref<10240x128xf32, #tpu.memory_space<vmem_shared>>) offsets(%arg11 : memref<128xi32, #tpu.memory_space<vmem>>) semaphore(%run_scoped3A : memref<!tpu.dma_semaphore, #tpu.memory_space<semaphore_mem>>) {add = true}
        %dma_wait3A_144 = arith.constant 0 : i32
        %dma_wait3A_145 = arith.constant 0 : i32
        %dma_wait3A_146 = tpu.memref_slice %arg15[%dma_wait3A_144, %dma_wait3A_145] : memref<10240x128xf32, #tpu.memory_space<vmem_shared>> -> memref<10240x128xf32, #tpu.memory_space<vmem_shared>>
        tpu.wait_indirect_dma semaphore(%run_scoped3A : memref<!tpu.dma_semaphore, #tpu.memory_space<semaphore_mem>>) src(%arg7 : memref<128x128xf32, #tpu.memory_space<vmem>>) dst(%dma_wait3A_146 : memref<10240x128xf32, #tpu.memory_space<vmem_shared>>)
        tpu.yield
      }) : () -> ()
      "tpu.region"() ({
        %run_scoped3A = tpu.sem_alloc : memref<!tpu.dma_semaphore, #tpu.memory_space<semaphore_mem>>
        %dma_start3A_141 = arith.constant 0 : i32
        %dma_start3A_142 = tpu.memref_slice %arg16[%dma_start3A_141] : memref<10240xf32, #tpu.memory_space<vmem_shared>> -> memref<10240xf32, #tpu.memory_space<vmem_shared>>
        tpu.enqueue_indirect_dma source(%arg13 : memref<128xf32, #tpu.memory_space<vmem>>) target(%dma_start3A_142 : memref<10240xf32, #tpu.memory_space<vmem_shared>>) offsets(%arg11 : memref<128xi32, #tpu.memory_space<vmem>>) semaphore(%run_scoped3A : memref<!tpu.dma_semaphore, #tpu.memory_space<semaphore_mem>>) {add = true}
        %dma_wait3A_143 = arith.constant 0 : i32
        %dma_wait3A_144 = tpu.memref_slice %arg16[%dma_wait3A_143] : memref<10240xf32, #tpu.memory_space<vmem_shared>> -> memref<10240xf32, #tpu.memory_space<vmem_shared>>
        tpu.wait_indirect_dma semaphore(%run_scoped3A : memref<!tpu.dma_semaphore, #tpu.memory_space<semaphore_mem>>) src(%arg13 : memref<128xf32, #tpu.memory_space<vmem>>) dst(%dma_wait3A_144 : memref<10240xf32, #tpu.memory_space<vmem_shared>>)
        tpu.yield
      }) : () -> ()
      %mul3A_126 = arith.constant 2 : i32
      %mul3A_127 = arith.muli %while3A_110, %mul3A_126 : i32
      %add3A_128 = arith.constant 1 : i32
      %add3A_129 = arith.addi %mul3A_127, %add3A_128 : i32
      %add3A_130 = arith.constant 1 : i32
      %add3A_131 = arith.addi %add3A_129, %add3A_130 : i32
      %mul3A_132 = arith.constant 128 : i32
      %mul3A_133 = arith.muli %add3A_131, %mul3A_132 : i32
      %add3A_134 = arith.addi %mul3A_67, %mul3A_133 : i32
      "tpu.region"() ({
        %run_scoped3A = tpu.sem_alloc : memref<!tpu.dma_semaphore, #tpu.memory_space<semaphore_mem>>
        %dma_start3A_141 = tpu.memref_slice %arg3[%add3A_134] : memref<323712xi32, #tpu.memory_space<hbm>> -> memref<128xi32, #tpu.memory_space<hbm>>
        %dma_start3A_142 = tpu.memref_slice %arg3[%add3A_134] : memref<323712xi32, #tpu.memory_space<hbm>> -> memref<128xi32, #tpu.memory_space<hbm>>
        tpu.enqueue_dma source(%dma_start3A_142 : memref<128xi32, #tpu.memory_space<hbm>>) target(%arg9 : memref<128xi32, #tpu.memory_space<vmem>>) target_semaphore(%run_scoped3A : memref<!tpu.dma_semaphore, #tpu.memory_space<semaphore_mem>>)
        %dma_wait3A_143 = tpu.memref_slice %arg3[%add3A_134] : memref<323712xi32, #tpu.memory_space<hbm>> -> memref<128xi32, #tpu.memory_space<hbm>>
        %dma_wait3A_144 = tpu.memref_slice %arg3[%add3A_134] : memref<323712xi32, #tpu.memory_space<hbm>> -> memref<128xi32, #tpu.memory_space<hbm>>
        tpu.wait_dma2 semaphore(%run_scoped3A : memref<!tpu.dma_semaphore, #tpu.memory_space<semaphore_mem>>) src(%dma_wait3A_144 : memref<128xi32, #tpu.memory_space<hbm>>) dst(%arg9 : memref<128xi32, #tpu.memory_space<vmem>>)
        tpu.yield
      }) : () -> ()
      "tpu.region"() ({
        %run_scoped3A = tpu.sem_alloc : memref<!tpu.dma_semaphore, #tpu.memory_space<semaphore_mem>>
        %dma_start3A_141 = tpu.memref_slice %arg4[%add3A_134] : memref<323712xi32, #tpu.memory_space<hbm>> -> memref<128xi32, #tpu.memory_space<hbm>>
        %dma_start3A_142 = tpu.memref_slice %arg4[%add3A_134] : memref<323712xi32, #tpu.memory_space<hbm>> -> memref<128xi32, #tpu.memory_space<hbm>>
        tpu.enqueue_dma source(%dma_start3A_142 : memref<128xi32, #tpu.memory_space<hbm>>) target(%arg11 : memref<128xi32, #tpu.memory_space<vmem>>) target_semaphore(%run_scoped3A : memref<!tpu.dma_semaphore, #tpu.memory_space<semaphore_mem>>)
        %dma_wait3A_143 = tpu.memref_slice %arg4[%add3A_134] : memref<323712xi32, #tpu.memory_space<hbm>> -> memref<128xi32, #tpu.memory_space<hbm>>
        %dma_wait3A_144 = tpu.memref_slice %arg4[%add3A_134] : memref<323712xi32, #tpu.memory_space<hbm>> -> memref<128xi32, #tpu.memory_space<hbm>>
        tpu.wait_dma2 semaphore(%run_scoped3A : memref<!tpu.dma_semaphore, #tpu.memory_space<semaphore_mem>>) src(%dma_wait3A_144 : memref<128xi32, #tpu.memory_space<hbm>>) dst(%arg11 : memref<128xi32, #tpu.memory_space<vmem>>)
        tpu.yield
      }) : () -> ()
      %dma_start3A_135 = arith.constant 0 : i32
      %dma_start3A_136 = arith.constant 0 : i32
      %dma_start3A_137 = tpu.memref_slice %arg2[%dma_start3A_135, %dma_start3A_136] : memref<80000x128xf32, #tpu.memory_space<hbm>> -> memref<80000x128xf32, #tpu.memory_space<hbm>>
      tpu.enqueue_indirect_dma source(%dma_start3A_137 : memref<80000x128xf32, #tpu.memory_space<hbm>>) target(%arg7 : memref<128x128xf32, #tpu.memory_space<vmem>>) offsets(%arg9 : memref<128xi32, #tpu.memory_space<vmem>>) semaphore(%arg17 : memref<!tpu.dma_semaphore, #tpu.memory_space<semaphore_mem>>)
      %dma_wait3A_138 = arith.constant 0 : i32
      %dma_wait3A_139 = arith.constant 0 : i32
      %dma_wait3A_140 = tpu.memref_slice %arg2[%dma_wait3A_138, %dma_wait3A_139] : memref<80000x128xf32, #tpu.memory_space<hbm>> -> memref<80000x128xf32, #tpu.memory_space<hbm>>
      tpu.wait_indirect_dma semaphore(%arg18 : memref<!tpu.dma_semaphore, #tpu.memory_space<semaphore_mem>>) src(%dma_wait3A_140 : memref<80000x128xf32, #tpu.memory_space<hbm>>) dst(%arg8 : memref<128x128xf32, #tpu.memory_space<vmem>>)
      "tpu.region"() ({
        %run_scoped3A = tpu.sem_alloc : memref<!tpu.dma_semaphore, #tpu.memory_space<semaphore_mem>>
        %dma_start3A_141 = arith.constant 0 : i32
        %dma_start3A_142 = arith.constant 0 : i32
        %dma_start3A_143 = tpu.memref_slice %arg15[%dma_start3A_141, %dma_start3A_142] : memref<10240x128xf32, #tpu.memory_space<vmem_shared>> -> memref<10240x128xf32, #tpu.memory_space<vmem_shared>>
        tpu.enqueue_indirect_dma source(%arg8 : memref<128x128xf32, #tpu.memory_space<vmem>>) target(%dma_start3A_143 : memref<10240x128xf32, #tpu.memory_space<vmem_shared>>) offsets(%arg12 : memref<128xi32, #tpu.memory_space<vmem>>) semaphore(%run_scoped3A : memref<!tpu.dma_semaphore, #tpu.memory_space<semaphore_mem>>) {add = true}
        %dma_wait3A_144 = arith.constant 0 : i32
        %dma_wait3A_145 = arith.constant 0 : i32
        %dma_wait3A_146 = tpu.memref_slice %arg15[%dma_wait3A_144, %dma_wait3A_145] : memref<10240x128xf32, #tpu.memory_space<vmem_shared>> -> memref<10240x128xf32, #tpu.memory_space<vmem_shared>>
        tpu.wait_indirect_dma semaphore(%run_scoped3A : memref<!tpu.dma_semaphore, #tpu.memory_space<semaphore_mem>>) src(%arg8 : memref<128x128xf32, #tpu.memory_space<vmem>>) dst(%dma_wait3A_146 : memref<10240x128xf32, #tpu.memory_space<vmem_shared>>)
        tpu.yield
      }) : () -> ()
      "tpu.region"() ({
        %run_scoped3A = tpu.sem_alloc : memref<!tpu.dma_semaphore, #tpu.memory_space<semaphore_mem>>
        %dma_start3A_141 = arith.constant 0 : i32
        %dma_start3A_142 = tpu.memref_slice %arg16[%dma_start3A_141] : memref<10240xf32, #tpu.memory_space<vmem_shared>> -> memref<10240xf32, #tpu.memory_space<vmem_shared>>
        tpu.enqueue_indirect_dma source(%arg13 : memref<128xf32, #tpu.memory_space<vmem>>) target(%dma_start3A_142 : memref<10240xf32, #tpu.memory_space<vmem_shared>>) offsets(%arg12 : memref<128xi32, #tpu.memory_space<vmem>>) semaphore(%run_scoped3A : memref<!tpu.dma_semaphore, #tpu.memory_space<semaphore_mem>>) {add = true}
        %dma_wait3A_143 = arith.constant 0 : i32
        %dma_wait3A_144 = tpu.memref_slice %arg16[%dma_wait3A_143] : memref<10240xf32, #tpu.memory_space<vmem_shared>> -> memref<10240xf32, #tpu.memory_space<vmem_shared>>
        tpu.wait_indirect_dma semaphore(%run_scoped3A : memref<!tpu.dma_semaphore, #tpu.memory_space<semaphore_mem>>) src(%arg13 : memref<128xf32, #tpu.memory_space<vmem>>) dst(%dma_wait3A_144 : memref<10240xf32, #tpu.memory_space<vmem_shared>>)
        tpu.yield
      }) : () -> ()
    }
    %while3A_96 = arith.constant 1 : i32
    scf.for %while3A_110 = %while3A_94 to %while3A_90 step %while3A_96  : i32 {
      %mul3A_111 = arith.constant 2 : i32
      %mul3A_112 = arith.muli %while3A_110, %mul3A_111 : i32
      %add3A_113 = arith.constant 0 : i32
      %add3A_114 = arith.addi %mul3A_112, %add3A_113 : i32
      %add3A_115 = arith.constant 1 : i32
      %add3A_116 = arith.addi %add3A_114, %add3A_115 : i32
      %mul3A_117 = arith.constant 128 : i32
      %mul3A_118 = arith.muli %add3A_116, %mul3A_117 : i32
      %add3A_119 = arith.addi %mul3A_67, %mul3A_118 : i32
      "tpu.region"() ({
        %run_scoped3A = tpu.sem_alloc : memref<!tpu.dma_semaphore, #tpu.memory_space<semaphore_mem>>
        %dma_start3A_141 = tpu.memref_slice %arg3[%add3A_119] : memref<323712xi32, #tpu.memory_space<hbm>> -> memref<128xi32, #tpu.memory_space<hbm>>
        %dma_start3A_142 = tpu.memref_slice %arg3[%add3A_119] : memref<323712xi32, #tpu.memory_space<hbm>> -> memref<128xi32, #tpu.memory_space<hbm>>
        tpu.enqueue_dma source(%dma_start3A_142 : memref<128xi32, #tpu.memory_space<hbm>>) target(%arg10 : memref<128xi32, #tpu.memory_space<vmem>>) target_semaphore(%run_scoped3A : memref<!tpu.dma_semaphore, #tpu.memory_space<semaphore_mem>>)
        %dma_wait3A_143 = tpu.memref_slice %arg3[%add3A_119] : memref<323712xi32, #tpu.memory_space<hbm>> -> memref<128xi32, #tpu.memory_space<hbm>>
        %dma_wait3A_144 = tpu.memref_slice %arg3[%add3A_119] : memref<323712xi32, #tpu.memory_space<hbm>> -> memref<128xi32, #tpu.memory_space<hbm>>
        tpu.wait_dma2 semaphore(%run_scoped3A : memref<!tpu.dma_semaphore, #tpu.memory_space<semaphore_mem>>) src(%dma_wait3A_144 : memref<128xi32, #tpu.memory_space<hbm>>) dst(%arg10 : memref<128xi32, #tpu.memory_space<vmem>>)
        tpu.yield
      }) : () -> ()
      "tpu.region"() ({
        %run_scoped3A = tpu.sem_alloc : memref<!tpu.dma_semaphore, #tpu.memory_space<semaphore_mem>>
        %dma_start3A_141 = tpu.memref_slice %arg4[%add3A_119] : memref<323712xi32, #tpu.memory_space<hbm>> -> memref<128xi32, #tpu.memory_space<hbm>>
        %dma_start3A_142 = tpu.memref_slice %arg4[%add3A_119] : memref<323712xi32, #tpu.memory_space<hbm>> -> memref<128xi32, #tpu.memory_space<hbm>>
        tpu.enqueue_dma source(%dma_start3A_142 : memref<128xi32, #tpu.memory_space<hbm>>) target(%arg12 : memref<128xi32, #tpu.memory_space<vmem>>) target_semaphore(%run_scoped3A : memref<!tpu.dma_semaphore, #tpu.memory_space<semaphore_mem>>)
        %dma_wait3A_143 = tpu.memref_slice %arg4[%add3A_119] : memref<323712xi32, #tpu.memory_space<hbm>> -> memref<128xi32, #tpu.memory_space<hbm>>
        %dma_wait3A_144 = tpu.memref_slice %arg4[%add3A_119] : memref<323712xi32, #tpu.memory_space<hbm>> -> memref<128xi32, #tpu.memory_space<hbm>>
        tpu.wait_dma2 semaphore(%run_scoped3A : memref<!tpu.dma_semaphore, #tpu.memory_space<semaphore_mem>>) src(%dma_wait3A_144 : memref<128xi32, #tpu.memory_space<hbm>>) dst(%arg12 : memref<128xi32, #tpu.memory_space<vmem>>)
        tpu.yield
      }) : () -> ()
      %dma_start3A_120 = arith.constant 0 : i32
      %dma_start3A_121 = arith.constant 0 : i32
      %dma_start3A_122 = tpu.memref_slice %arg2[%dma_start3A_120, %dma_start3A_121] : memref<80000x128xf32, #tpu.memory_space<hbm>> -> memref<80000x128xf32, #tpu.memory_space<hbm>>
      tpu.enqueue_indirect_dma source(%dma_start3A_122 : memref<80000x128xf32, #tpu.memory_space<hbm>>) target(%arg8 : memref<128x128xf32, #tpu.memory_space<vmem>>) offsets(%arg10 : memref<128xi32, #tpu.memory_space<vmem>>) semaphore(%arg18 : memref<!tpu.dma_semaphore, #tpu.memory_space<semaphore_mem>>)
      %dma_wait3A_123 = arith.constant 0 : i32
      %dma_wait3A_124 = arith.constant 0 : i32
      %dma_wait3A_125 = tpu.memref_slice %arg2[%dma_wait3A_123, %dma_wait3A_124] : memref<80000x128xf32, #tpu.memory_space<hbm>> -> memref<80000x128xf32, #tpu.memory_space<hbm>>
      tpu.wait_indirect_dma semaphore(%arg17 : memref<!tpu.dma_semaphore, #tpu.memory_space<semaphore_mem>>) src(%dma_wait3A_125 : memref<80000x128xf32, #tpu.memory_space<hbm>>) dst(%arg7 : memref<128x128xf32, #tpu.memory_space<vmem>>)
      "tpu.region"() ({
        %run_scoped3A = tpu.sem_alloc : memref<!tpu.dma_semaphore, #tpu.memory_space<semaphore_mem>>
        %dma_start3A_141 = arith.constant 0 : i32
        %dma_start3A_142 = arith.constant 0 : i32
        %dma_start3A_143 = tpu.memref_slice %arg15[%dma_start3A_141, %dma_start3A_142] : memref<10240x128xf32, #tpu.memory_space<vmem_shared>> -> memref<10240x128xf32, #tpu.memory_space<vmem_shared>>
        tpu.enqueue_indirect_dma source(%arg7 : memref<128x128xf32, #tpu.memory_space<vmem>>) target(%dma_start3A_143 : memref<10240x128xf32, #tpu.memory_space<vmem_shared>>) offsets(%arg11 : memref<128xi32, #tpu.memory_space<vmem>>) semaphore(%run_scoped3A : memref<!tpu.dma_semaphore, #tpu.memory_space<semaphore_mem>>) {add = true}
        %dma_wait3A_144 = arith.constant 0 : i32
        %dma_wait3A_145 = arith.constant 0 : i32
        %dma_wait3A_146 = tpu.memref_slice %arg15[%dma_wait3A_144, %dma_wait3A_145] : memref<10240x128xf32, #tpu.memory_space<vmem_shared>> -> memref<10240x128xf32, #tpu.memory_space<vmem_shared>>
        tpu.wait_indirect_dma semaphore(%run_scoped3A : memref<!tpu.dma_semaphore, #tpu.memory_space<semaphore_mem>>) src(%arg7 : memref<128x128xf32, #tpu.memory_space<vmem>>) dst(%dma_wait3A_146 : memref<10240x128xf32, #tpu.memory_space<vmem_shared>>)
        tpu.yield
      }) : () -> ()
      "tpu.region"() ({
        %run_scoped3A = tpu.sem_alloc : memref<!tpu.dma_semaphore, #tpu.memory_space<semaphore_mem>>
        %dma_start3A_141 = arith.constant 0 : i32
        %dma_start3A_142 = tpu.memref_slice %arg16[%dma_start3A_141] : memref<10240xf32, #tpu.memory_space<vmem_shared>> -> memref<10240xf32, #tpu.memory_space<vmem_shared>>
        tpu.enqueue_indirect_dma source(%arg13 : memref<128xf32, #tpu.memory_space<vmem>>) target(%dma_start3A_142 : memref<10240xf32, #tpu.memory_space<vmem_shared>>) offsets(%arg11 : memref<128xi32, #tpu.memory_space<vmem>>) semaphore(%run_scoped3A : memref<!tpu.dma_semaphore, #tpu.memory_space<semaphore_mem>>) {add = true}
        %dma_wait3A_143 = arith.constant 0 : i32
        %dma_wait3A_144 = tpu.memref_slice %arg16[%dma_wait3A_143] : memref<10240xf32, #tpu.memory_space<vmem_shared>> -> memref<10240xf32, #tpu.memory_space<vmem_shared>>
        tpu.wait_indirect_dma semaphore(%run_scoped3A : memref<!tpu.dma_semaphore, #tpu.memory_space<semaphore_mem>>) src(%arg13 : memref<128xf32, #tpu.memory_space<vmem>>) dst(%dma_wait3A_144 : memref<10240xf32, #tpu.memory_space<vmem_shared>>)
        tpu.yield
      }) : () -> ()
      %mul3A_126 = arith.constant 2 : i32
      %mul3A_127 = arith.muli %while3A_110, %mul3A_126 : i32
      %add3A_128 = arith.constant 1 : i32
      %add3A_129 = arith.addi %mul3A_127, %add3A_128 : i32
      %add3A_130 = arith.constant 1 : i32
      %add3A_131 = arith.addi %add3A_129, %add3A_130 : i32
      %mul3A_132 = arith.constant 128 : i32
      %mul3A_133 = arith.muli %add3A_131, %mul3A_132 : i32
      %add3A_134 = arith.addi %mul3A_67, %mul3A_133 : i32
      "tpu.region"() ({
        %run_scoped3A = tpu.sem_alloc : memref<!tpu.dma_semaphore, #tpu.memory_space<semaphore_mem>>
        %dma_start3A_141 = tpu.memref_slice %arg3[%add3A_134] : memref<323712xi32, #tpu.memory_space<hbm>> -> memref<128xi32, #tpu.memory_space<hbm>>
        %dma_start3A_142 = tpu.memref_slice %arg3[%add3A_134] : memref<323712xi32, #tpu.memory_space<hbm>> -> memref<128xi32, #tpu.memory_space<hbm>>
        tpu.enqueue_dma source(%dma_start3A_142 : memref<128xi32, #tpu.memory_space<hbm>>) target(%arg9 : memref<128xi32, #tpu.memory_space<vmem>>) target_semaphore(%run_scoped3A : memref<!tpu.dma_semaphore, #tpu.memory_space<semaphore_mem>>)
        %dma_wait3A_143 = tpu.memref_slice %arg3[%add3A_134] : memref<323712xi32, #tpu.memory_space<hbm>> -> memref<128xi32, #tpu.memory_space<hbm>>
        %dma_wait3A_144 = tpu.memref_slice %arg3[%add3A_134] : memref<323712xi32, #tpu.memory_space<hbm>> -> memref<128xi32, #tpu.memory_space<hbm>>
        tpu.wait_dma2 semaphore(%run_scoped3A : memref<!tpu.dma_semaphore, #tpu.memory_space<semaphore_mem>>) src(%dma_wait3A_144 : memref<128xi32, #tpu.memory_space<hbm>>) dst(%arg9 : memref<128xi32, #tpu.memory_space<vmem>>)
        tpu.yield
      }) : () -> ()
      "tpu.region"() ({
        %run_scoped3A = tpu.sem_alloc : memref<!tpu.dma_semaphore, #tpu.memory_space<semaphore_mem>>
        %dma_start3A_141 = tpu.memref_slice %arg4[%add3A_134] : memref<323712xi32, #tpu.memory_space<hbm>> -> memref<128xi32, #tpu.memory_space<hbm>>
        %dma_start3A_142 = tpu.memref_slice %arg4[%add3A_134] : memref<323712xi32, #tpu.memory_space<hbm>> -> memref<128xi32, #tpu.memory_space<hbm>>
        tpu.enqueue_dma source(%dma_start3A_142 : memref<128xi32, #tpu.memory_space<hbm>>) target(%arg11 : memref<128xi32, #tpu.memory_space<vmem>>) target_semaphore(%run_scoped3A : memref<!tpu.dma_semaphore, #tpu.memory_space<semaphore_mem>>)
        %dma_wait3A_143 = tpu.memref_slice %arg4[%add3A_134] : memref<323712xi32, #tpu.memory_space<hbm>> -> memref<128xi32, #tpu.memory_space<hbm>>
        %dma_wait3A_144 = tpu.memref_slice %arg4[%add3A_134] : memref<323712xi32, #tpu.memory_space<hbm>> -> memref<128xi32, #tpu.memory_space<hbm>>
        tpu.wait_dma2 semaphore(%run_scoped3A : memref<!tpu.dma_semaphore, #tpu.memory_space<semaphore_mem>>) src(%dma_wait3A_144 : memref<128xi32, #tpu.memory_space<hbm>>) dst(%arg11 : memref<128xi32, #tpu.memory_space<vmem>>)
        tpu.yield
      }) : () -> ()
      %dma_start3A_135 = arith.constant 0 : i32
      %dma_start3A_136 = arith.constant 0 : i32
      %dma_start3A_137 = tpu.memref_slice %arg2[%dma_start3A_135, %dma_start3A_136] : memref<80000x128xf32, #tpu.memory_space<hbm>> -> memref<80000x128xf32, #tpu.memory_space<hbm>>
      tpu.enqueue_indirect_dma source(%dma_start3A_137 : memref<80000x128xf32, #tpu.memory_space<hbm>>) target(%arg7 : memref<128x128xf32, #tpu.memory_space<vmem>>) offsets(%arg9 : memref<128xi32, #tpu.memory_space<vmem>>) semaphore(%arg17 : memref<!tpu.dma_semaphore, #tpu.memory_space<semaphore_mem>>)
      %dma_wait3A_138 = arith.constant 0 : i32
      %dma_wait3A_139 = arith.constant 0 : i32
      %dma_wait3A_140 = tpu.memref_slice %arg2[%dma_wait3A_138, %dma_wait3A_139] : memref<80000x128xf32, #tpu.memory_space<hbm>> -> memref<80000x128xf32, #tpu.memory_space<hbm>>
      tpu.wait_indirect_dma semaphore(%arg18 : memref<!tpu.dma_semaphore, #tpu.memory_space<semaphore_mem>>) src(%dma_wait3A_140 : memref<80000x128xf32, #tpu.memory_space<hbm>>) dst(%arg8 : memref<128x128xf32, #tpu.memory_space<vmem>>)
      "tpu.region"() ({
        %run_scoped3A = tpu.sem_alloc : memref<!tpu.dma_semaphore, #tpu.memory_space<semaphore_mem>>
        %dma_start3A_141 = arith.constant 0 : i32
        %dma_start3A_142 = arith.constant 0 : i32
        %dma_start3A_143 = tpu.memref_slice %arg15[%dma_start3A_141, %dma_start3A_142] : memref<10240x128xf32, #tpu.memory_space<vmem_shared>> -> memref<10240x128xf32, #tpu.memory_space<vmem_shared>>
        tpu.enqueue_indirect_dma source(%arg8 : memref<128x128xf32, #tpu.memory_space<vmem>>) target(%dma_start3A_143 : memref<10240x128xf32, #tpu.memory_space<vmem_shared>>) offsets(%arg12 : memref<128xi32, #tpu.memory_space<vmem>>) semaphore(%run_scoped3A : memref<!tpu.dma_semaphore, #tpu.memory_space<semaphore_mem>>) {add = true}
        %dma_wait3A_144 = arith.constant 0 : i32
        %dma_wait3A_145 = arith.constant 0 : i32
        %dma_wait3A_146 = tpu.memref_slice %arg15[%dma_wait3A_144, %dma_wait3A_145] : memref<10240x128xf32, #tpu.memory_space<vmem_shared>> -> memref<10240x128xf32, #tpu.memory_space<vmem_shared>>
        tpu.wait_indirect_dma semaphore(%run_scoped3A : memref<!tpu.dma_semaphore, #tpu.memory_space<semaphore_mem>>) src(%arg8 : memref<128x128xf32, #tpu.memory_space<vmem>>) dst(%dma_wait3A_146 : memref<10240x128xf32, #tpu.memory_space<vmem_shared>>)
        tpu.yield
      }) : () -> ()
      "tpu.region"() ({
        %run_scoped3A = tpu.sem_alloc : memref<!tpu.dma_semaphore, #tpu.memory_space<semaphore_mem>>
        %dma_start3A_141 = arith.constant 0 : i32
        %dma_start3A_142 = tpu.memref_slice %arg16[%dma_start3A_141] : memref<10240xf32, #tpu.memory_space<vmem_shared>> -> memref<10240xf32, #tpu.memory_space<vmem_shared>>
        tpu.enqueue_indirect_dma source(%arg13 : memref<128xf32, #tpu.memory_space<vmem>>) target(%dma_start3A_142 : memref<10240xf32, #tpu.memory_space<vmem_shared>>) offsets(%arg12 : memref<128xi32, #tpu.memory_space<vmem>>) semaphore(%run_scoped3A : memref<!tpu.dma_semaphore, #tpu.memory_space<semaphore_mem>>) {add = true}
        %dma_wait3A_143 = arith.constant 0 : i32
        %dma_wait3A_144 = tpu.memref_slice %arg16[%dma_wait3A_143] : memref<10240xf32, #tpu.memory_space<vmem_shared>> -> memref<10240xf32, #tpu.memory_space<vmem_shared>>
        tpu.wait_indirect_dma semaphore(%run_scoped3A : memref<!tpu.dma_semaphore, #tpu.memory_space<semaphore_mem>>) src(%arg13 : memref<128xf32, #tpu.memory_space<vmem>>) dst(%dma_wait3A_144 : memref<10240xf32, #tpu.memory_space<vmem_shared>>)
        tpu.yield
      }) : () -> ()
    }
    %dma_wait3A = arith.constant 0 : i32
    %dma_wait3A_97 = arith.constant 0 : i32
    %dma_wait3A_98 = tpu.memref_slice %arg2[%dma_wait3A, %dma_wait3A_97] : memref<80000x128xf32, #tpu.memory_space<hbm>> -> memref<80000x128xf32, #tpu.memory_space<hbm>>
    tpu.wait_indirect_dma semaphore(%arg17 : memref<!tpu.dma_semaphore, #tpu.memory_space<semaphore_mem>>) src(%dma_wait3A_98 : memref<80000x128xf32, #tpu.memory_space<hbm>>) dst(%arg7 : memref<128x128xf32, #tpu.memory_space<vmem>>)
    %barrier3A_99 = arith.constant 0 : index
    tpu.barrier barrier_id(%barrier3A_99)
    %add3A_100 = arith.constant 0 : i32
    %add3A_101 = arith.addi %mul3A_45, %add3A_100 : i32
    "tpu.region"() ({
      %run_scoped3A = tpu.sem_alloc : memref<!tpu.dma_semaphore, #tpu.memory_space<semaphore_mem>>
      %dma_start3A_110 = arith.constant 0 : i32
      %dma_start3A_111 = tpu.memref_slice %arg5[%arg0, %add3A_101, %dma_start3A_110] : memref<2x10240x128xf32, #tpu.memory_space<hbm>> -> memref<1x128x128xf32, #tpu.memory_space<hbm>>
      %dma_start3A_112 = tpu.memref_squeeze %dma_start3A_111 : memref<1x128x128xf32, #tpu.memory_space<hbm>> -> memref<128x128xf32, #tpu.memory_space<hbm>>
      %dma_start3A_113 = arith.constant 0 : i32
      %dma_start3A_114 = tpu.memref_slice %arg15[%add3A_101, %dma_start3A_113] : memref<10240x128xf32, #tpu.memory_space<vmem_shared>> -> memref<128x128xf32, #tpu.memory_space<vmem_shared>>
      tpu.enqueue_dma source(%dma_start3A_114 : memref<128x128xf32, #tpu.memory_space<vmem_shared>>) target(%dma_start3A_112 : memref<128x128xf32, #tpu.memory_space<hbm>>) target_semaphore(%run_scoped3A : memref<!tpu.dma_semaphore, #tpu.memory_space<semaphore_mem>>)
      %dma_wait3A_115 = arith.constant 0 : i32
      %dma_wait3A_116 = tpu.memref_slice %arg5[%arg0, %add3A_101, %dma_wait3A_115] : memref<2x10240x128xf32, #tpu.memory_space<hbm>> -> memref<1x128x128xf32, #tpu.memory_space<hbm>>
      %dma_wait3A_117 = tpu.memref_squeeze %dma_wait3A_116 : memref<1x128x128xf32, #tpu.memory_space<hbm>> -> memref<128x128xf32, #tpu.memory_space<hbm>>
      %dma_wait3A_118 = arith.constant 0 : i32
      %dma_wait3A_119 = tpu.memref_slice %arg15[%add3A_101, %dma_wait3A_118] : memref<10240x128xf32, #tpu.memory_space<vmem_shared>> -> memref<128x128xf32, #tpu.memory_space<vmem_shared>>
      tpu.wait_dma2 semaphore(%run_scoped3A : memref<!tpu.dma_semaphore, #tpu.memory_space<semaphore_mem>>) src(%dma_wait3A_119 : memref<128x128xf32, #tpu.memory_space<vmem_shared>>) dst(%dma_wait3A_117 : memref<128x128xf32, #tpu.memory_space<hbm>>)
      tpu.yield
    }) : () -> ()
    %add3A_102 = arith.constant 128 : i32
    %add3A_103 = arith.addi %mul3A_45, %add3A_102 : i32
    "tpu.region"() ({
      %run_scoped3A = tpu.sem_alloc : memref<!tpu.dma_semaphore, #tpu.memory_space<semaphore_mem>>
      %dma_start3A_110 = arith.constant 0 : i32
      %dma_start3A_111 = tpu.memref_slice %arg5[%arg0, %add3A_103, %dma_start3A_110] : memref<2x10240x128xf32, #tpu.memory_space<hbm>> -> memref<1x128x128xf32, #tpu.memory_space<hbm>>
      %dma_start3A_112 = tpu.memref_squeeze %dma_start3A_111 : memref<1x128x128xf32, #tpu.memory_space<hbm>> -> memref<128x128xf32, #tpu.memory_space<hbm>>
      %dma_start3A_113 = arith.constant 0 : i32
      %dma_start3A_114 = tpu.memref_slice %arg15[%add3A_103, %dma_start3A_113] : memref<10240x128xf32, #tpu.memory_space<vmem_shared>> -> memref<128x128xf32, #tpu.memory_space<vmem_shared>>
      tpu.enqueue_dma source(%dma_start3A_114 : memref<128x128xf32, #tpu.memory_space<vmem_shared>>) target(%dma_start3A_112 : memref<128x128xf32, #tpu.memory_space<hbm>>) target_semaphore(%run_scoped3A : memref<!tpu.dma_semaphore, #tpu.memory_space<semaphore_mem>>)
      %dma_wait3A_115 = arith.constant 0 : i32
      %dma_wait3A_116 = tpu.memref_slice %arg5[%arg0, %add3A_103, %dma_wait3A_115] : memref<2x10240x128xf32, #tpu.memory_space<hbm>> -> memref<1x128x128xf32, #tpu.memory_space<hbm>>
      %dma_wait3A_117 = tpu.memref_squeeze %dma_wait3A_116 : memref<1x128x128xf32, #tpu.memory_space<hbm>> -> memref<128x128xf32, #tpu.memory_space<hbm>>
      %dma_wait3A_118 = arith.constant 0 : i32
      %dma_wait3A_119 = tpu.memref_slice %arg15[%add3A_103, %dma_wait3A_118] : memref<10240x128xf32, #tpu.memory_space<vmem_shared>> -> memref<128x128xf32, #tpu.memory_space<vmem_shared>>
      tpu.wait_dma2 semaphore(%run_scoped3A : memref<!tpu.dma_semaphore, #tpu.memory_space<semaphore_mem>>) src(%dma_wait3A_119 : memref<128x128xf32, #tpu.memory_space<vmem_shared>>) dst(%dma_wait3A_117 : memref<128x128xf32, #tpu.memory_space<hbm>>)
      tpu.yield
    }) : () -> ()
    %add3A_104 = arith.constant 256 : i32
    %add3A_105 = arith.addi %mul3A_45, %add3A_104 : i32
    "tpu.region"() ({
      %run_scoped3A = tpu.sem_alloc : memref<!tpu.dma_semaphore, #tpu.memory_space<semaphore_mem>>
      %dma_start3A_110 = arith.constant 0 : i32
      %dma_start3A_111 = tpu.memref_slice %arg5[%arg0, %add3A_105, %dma_start3A_110] : memref<2x10240x128xf32, #tpu.memory_space<hbm>> -> memref<1x128x128xf32, #tpu.memory_space<hbm>>
      %dma_start3A_112 = tpu.memref_squeeze %dma_start3A_111 : memref<1x128x128xf32, #tpu.memory_space<hbm>> -> memref<128x128xf32, #tpu.memory_space<hbm>>
      %dma_start3A_113 = arith.constant 0 : i32
      %dma_start3A_114 = tpu.memref_slice %arg15[%add3A_105, %dma_start3A_113] : memref<10240x128xf32, #tpu.memory_space<vmem_shared>> -> memref<128x128xf32, #tpu.memory_space<vmem_shared>>
      tpu.enqueue_dma source(%dma_start3A_114 : memref<128x128xf32, #tpu.memory_space<vmem_shared>>) target(%dma_start3A_112 : memref<128x128xf32, #tpu.memory_space<hbm>>) target_semaphore(%run_scoped3A : memref<!tpu.dma_semaphore, #tpu.memory_space<semaphore_mem>>)
      %dma_wait3A_115 = arith.constant 0 : i32
      %dma_wait3A_116 = tpu.memref_slice %arg5[%arg0, %add3A_105, %dma_wait3A_115] : memref<2x10240x128xf32, #tpu.memory_space<hbm>> -> memref<1x128x128xf32, #tpu.memory_space<hbm>>
      %dma_wait3A_117 = tpu.memref_squeeze %dma_wait3A_116 : memref<1x128x128xf32, #tpu.memory_space<hbm>> -> memref<128x128xf32, #tpu.memory_space<hbm>>
      %dma_wait3A_118 = arith.constant 0 : i32
      %dma_wait3A_119 = tpu.memref_slice %arg15[%add3A_105, %dma_wait3A_118] : memref<10240x128xf32, #tpu.memory_space<vmem_shared>> -> memref<128x128xf32, #tpu.memory_space<vmem_shared>>
      tpu.wait_dma2 semaphore(%run_scoped3A : memref<!tpu.dma_semaphore, #tpu.memory_space<semaphore_mem>>) src(%dma_wait3A_119 : memref<128x128xf32, #tpu.memory_space<vmem_shared>>) dst(%dma_wait3A_117 : memref<128x128xf32, #tpu.memory_space<hbm>>)
      tpu.yield
    }) : () -> ()
    %add3A_106 = arith.constant 384 : i32
    %add3A_107 = arith.addi %mul3A_45, %add3A_106 : i32
    "tpu.region"() ({
      %run_scoped3A = tpu.sem_alloc : memref<!tpu.dma_semaphore, #tpu.memory_space<semaphore_mem>>
      %dma_start3A_110 = arith.constant 0 : i32
      %dma_start3A_111 = tpu.memref_slice %arg5[%arg0, %add3A_107, %dma_start3A_110] : memref<2x10240x128xf32, #tpu.memory_space<hbm>> -> memref<1x128x128xf32, #tpu.memory_space<hbm>>
      %dma_start3A_112 = tpu.memref_squeeze %dma_start3A_111 : memref<1x128x128xf32, #tpu.memory_space<hbm>> -> memref<128x128xf32, #tpu.memory_space<hbm>>
      %dma_start3A_113 = arith.constant 0 : i32
      %dma_start3A_114 = tpu.memref_slice %arg15[%add3A_107, %dma_start3A_113] : memref<10240x128xf32, #tpu.memory_space<vmem_shared>> -> memref<128x128xf32, #tpu.memory_space<vmem_shared>>
      tpu.enqueue_dma source(%dma_start3A_114 : memref<128x128xf32, #tpu.memory_space<vmem_shared>>) target(%dma_start3A_112 : memref<128x128xf32, #tpu.memory_space<hbm>>) target_semaphore(%run_scoped3A : memref<!tpu.dma_semaphore, #tpu.memory_space<semaphore_mem>>)
      %dma_wait3A_115 = arith.constant 0 : i32
      %dma_wait3A_116 = tpu.memref_slice %arg5[%arg0, %add3A_107, %dma_wait3A_115] : memref<2x10240x128xf32, #tpu.memory_space<hbm>> -> memref<1x128x128xf32, #tpu.memory_space<hbm>>
      %dma_wait3A_117 = tpu.memref_squeeze %dma_wait3A_116 : memref<1x128x128xf32, #tpu.memory_space<hbm>> -> memref<128x128xf32, #tpu.memory_space<hbm>>
      %dma_wait3A_118 = arith.constant 0 : i32
      %dma_wait3A_119 = tpu.memref_slice %arg15[%add3A_107, %dma_wait3A_118] : memref<10240x128xf32, #tpu.memory_space<vmem_shared>> -> memref<128x128xf32, #tpu.memory_space<vmem_shared>>
      tpu.wait_dma2 semaphore(%run_scoped3A : memref<!tpu.dma_semaphore, #tpu.memory_space<semaphore_mem>>) src(%dma_wait3A_119 : memref<128x128xf32, #tpu.memory_space<vmem_shared>>) dst(%dma_wait3A_117 : memref<128x128xf32, #tpu.memory_space<hbm>>)
      tpu.yield
    }) : () -> ()
    %add3A_108 = arith.constant 512 : i32
    %add3A_109 = arith.addi %mul3A_45, %add3A_108 : i32
    "tpu.region"() ({
      %run_scoped3A = tpu.sem_alloc : memref<!tpu.dma_semaphore, #tpu.memory_space<semaphore_mem>>
      %dma_start3A_110 = arith.constant 0 : i32
      %dma_start3A_111 = tpu.memref_slice %arg5[%arg0, %add3A_109, %dma_start3A_110] : memref<2x10240x128xf32, #tpu.memory_space<hbm>> -> memref<1x128x128xf32, #tpu.memory_space<hbm>>
      %dma_start3A_112 = tpu.memref_squeeze %dma_start3A_111 : memref<1x128x128xf32, #tpu.memory_space<hbm>> -> memref<128x128xf32, #tpu.memory_space<hbm>>
      %dma_start3A_113 = arith.constant 0 : i32
      %dma_start3A_114 = tpu.memref_slice %arg15[%add3A_109, %dma_start3A_113] : memref<10240x128xf32, #tpu.memory_space<vmem_shared>> -> memref<128x128xf32, #tpu.memory_space<vmem_shared>>
      tpu.enqueue_dma source(%dma_start3A_114 : memref<128x128xf32, #tpu.memory_space<vmem_shared>>) target(%dma_start3A_112 : memref<128x128xf32, #tpu.memory_space<hbm>>) target_semaphore(%run_scoped3A : memref<!tpu.dma_semaphore, #tpu.memory_space<semaphore_mem>>)
      %dma_wait3A_115 = arith.constant 0 : i32
      %dma_wait3A_116 = tpu.memref_slice %arg5[%arg0, %add3A_109, %dma_wait3A_115] : memref<2x10240x128xf32, #tpu.memory_space<hbm>> -> memref<1x128x128xf32, #tpu.memory_space<hbm>>
      %dma_wait3A_117 = tpu.memref_squeeze %dma_wait3A_116 : memref<1x128x128xf32, #tpu.memory_space<hbm>> -> memref<128x128xf32, #tpu.memory_space<hbm>>
      %dma_wait3A_118 = arith.constant 0 : i32
      %dma_wait3A_119 = tpu.memref_slice %arg15[%add3A_109, %dma_wait3A_118] : memref<10240x128xf32, #tpu.memory_space<vmem_shared>> -> memref<128x128xf32, #tpu.memory_space<vmem_shared>>
      tpu.wait_dma2 semaphore(%run_scoped3A : memref<!tpu.dma_semaphore, #tpu.memory_space<semaphore_mem>>) src(%dma_wait3A_119 : memref<128x128xf32, #tpu.memory_space<vmem_shared>>) dst(%dma_wait3A_117 : memref<128x128xf32, #tpu.memory_space<hbm>>)
      tpu.yield
    }) : () -> ()
    "tpu.region"() ({
      %run_scoped3A = tpu.sem_alloc : memref<!tpu.dma_semaphore, #tpu.memory_space<semaphore_mem>>
      %dma_start3A_110 = tpu.memref_slice %arg6[%arg0, %mul3A_45] : memref<2x10240xf32, #tpu.memory_space<hbm>> -> memref<1x640xf32, #tpu.memory_space<hbm>>
      %dma_start3A_111 = tpu.memref_squeeze %dma_start3A_110 : memref<1x640xf32, #tpu.memory_space<hbm>> -> memref<640xf32, #tpu.memory_space<hbm>>
      %dma_start3A_112 = tpu.memref_slice %arg16[%mul3A_45] : memref<10240xf32, #tpu.memory_space<vmem_shared>> -> memref<640xf32, #tpu.memory_space<vmem_shared>>
      tpu.enqueue_dma source(%dma_start3A_112 : memref<640xf32, #tpu.memory_space<vmem_shared>>) target(%dma_start3A_111 : memref<640xf32, #tpu.memory_space<hbm>>) target_semaphore(%run_scoped3A : memref<!tpu.dma_semaphore, #tpu.memory_space<semaphore_mem>>)
      %dma_wait3A_113 = tpu.memref_slice %arg6[%arg0, %mul3A_45] : memref<2x10240xf32, #tpu.memory_space<hbm>> -> memref<1x640xf32, #tpu.memory_space<hbm>>
      %dma_wait3A_114 = tpu.memref_squeeze %dma_wait3A_113 : memref<1x640xf32, #tpu.memory_space<hbm>> -> memref<640xf32, #tpu.memory_space<hbm>>
      %dma_wait3A_115 = tpu.memref_slice %arg16[%mul3A_45] : memref<10240xf32, #tpu.memory_space<vmem_shared>> -> memref<640xf32, #tpu.memory_space<vmem_shared>>
      tpu.wait_dma2 semaphore(%run_scoped3A : memref<!tpu.dma_semaphore, #tpu.memory_space<semaphore_mem>>) src(%dma_wait3A_115 : memref<640xf32, #tpu.memory_space<vmem_shared>>) dst(%dma_wait3A_114 : memref<640xf32, #tpu.memory_space<hbm>>)
      tpu.yield
    }) : () -> ()
    return
  }
}

module attributes {stable_mosaic.version = 14 : i64} {
  func.func @body(%arg0: i32, %arg1: memref<2000x128xf32, #tpu.memory_space<vmem>>, %arg2: memref<128x1024xf32, #tpu.memory_space<vmem>>, %arg3: memref<128x128xf32, #tpu.memory_space<vmem>>, %arg4: memref<1x128xf32, #tpu.memory_space<vmem>>, %arg5: memref<2000x1024xf32, #tpu.memory_space<vmem>>, %arg6: memref<2000x128xf32, #tpu.memory_space<vmem>>) attributes {dimension_semantics = [#tpu.dimension_semantics<arbitrary>], iteration_bounds = array<i64: 5>, scalar_prefetch = 0 : i64, scratch_operands = 0 : i64, tpu.core_type = #tpu.core_type<tc>, window_params = [{transform_indices = @transform_0, window_bounds = array<i64: 2000, 128>}, {pipeline_mode = #tpu.pipeline_mode<synchronous>, transform_indices = @transform_1, window_bounds = array<i64: 128, 1024>}, {pipeline_mode = #tpu.pipeline_mode<synchronous>, transform_indices = @transform_2, window_bounds = array<i64: 128, 128>}, {pipeline_mode = #tpu.pipeline_mode<synchronous>, transform_indices = @transform_3, window_bounds = array<i64: 1, 128>}, {transform_indices = @transform_4, window_bounds = array<i64: 2000, 1024>}, {transform_indices = @transform_5, window_bounds = array<i64: 2000, 128>}]} {
    %get3A = arith.constant 0 : index
    %get3A_0 = arith.constant 0 : index
    %get3A_1 = vector.load %arg1[%get3A, %get3A_0] : memref<2000x128xf32, #tpu.memory_space<vmem>>, vector<2000x128xf32>
    %get3A_2 = arith.constant 0 : index
    %get3A_3 = arith.constant 0 : index
    %get3A_4 = vector.load %arg2[%get3A_2, %get3A_3] : memref<128x1024xf32, #tpu.memory_space<vmem>>, vector<128x1024xf32>
    %dot_general3A = arith.constant dense<0.000000e+00> : vector<2000x1024xf32>
    %dot_general3A_5 = tpu.matmul %get3A_1, %get3A_4, %dot_general3A {dimension_numbers = #tpu.dot_dimension_numbers<[1], [0], [0], [1], [0, 0, 1, 1], [], []>, transpose_lhs_hint = false} : vector<2000x128xf32>, vector<128x1024xf32>, vector<2000x1024xf32> -> vector<2000x1024xf32>
    %swap3A = arith.constant 0 : index
    %swap3A_6 = arith.constant 0 : index
    %swap3A_7 = vector.load %arg5[%swap3A, %swap3A_6] : memref<2000x1024xf32, #tpu.memory_space<vmem>>, vector<2000x1024xf32>
    tpu.vector_store %arg5[%swap3A, %swap3A_6], %dot_general3A_5 {strides = array<i32>} : memref<2000x1024xf32, #tpu.memory_space<vmem>>, vector<2000x1024xf32>,
    %get3A_8 = arith.constant 0 : index
    %get3A_9 = arith.constant 0 : index
    %get3A_10 = vector.load %arg3[%get3A_8, %get3A_9] : memref<128x128xf32, #tpu.memory_space<vmem>>, vector<128x128xf32>
    %dot_general3A_11 = arith.constant dense<0.000000e+00> : vector<2000x128xf32>
    %dot_general3A_12 = tpu.matmul %get3A_1, %get3A_10, %dot_general3A_11 {dimension_numbers = #tpu.dot_dimension_numbers<[1], [0], [0], [1], [0, 0, 1, 1], [], []>, transpose_lhs_hint = false} : vector<2000x128xf32>, vector<128x128xf32>, vector<2000x128xf32> -> vector<2000x128xf32>
    %get3A_13 = arith.constant 0 : index
    %get3A_14 = arith.constant 0 : index
    %get3A_15 = vector.load %arg4[%get3A_13, %get3A_14] : memref<1x128xf32, #tpu.memory_space<vmem>>, vector<1x128xf32>
    %add3A = vector.broadcast %get3A_15 : vector<1x128xf32> to vector<2000x128xf32>
    %add3A_16 = arith.addf %dot_general3A_12, %add3A : vector<2000x128xf32>
    %swap3A_17 = arith.constant 0 : index
    %swap3A_18 = arith.constant 0 : index
    %swap3A_19 = vector.load %arg6[%swap3A_17, %swap3A_18] : memref<2000x128xf32, #tpu.memory_space<vmem>>, vector<2000x128xf32>
    tpu.vector_store %arg6[%swap3A_17, %swap3A_18], %add3A_16 {strides = array<i32>} : memref<2000x128xf32, #tpu.memory_space<vmem>>, vector<2000x128xf32>,
    return
  }
  func.func @transform_0(%arg0: i32) -> (i32, i32) {
    %c0_i32 = arith.constant 0 : i32
    %c0_i32_0 = arith.constant 0 : i32
    return %arg0, %c0_i32 : i32, i32
  }
  func.func @transform_1(%arg0: i32) -> (i32, i32) {
    %c0_i32 = arith.constant 0 : i32
    %c0_i32_0 = arith.constant 0 : i32
    %c0_i32_1 = arith.constant 0 : i32
    return %c0_i32, %c0_i32_0 : i32, i32
  }
  func.func @transform_2(%arg0: i32) -> (i32, i32) {
    %c0_i32 = arith.constant 0 : i32
    %c0_i32_0 = arith.constant 0 : i32
    %c0_i32_1 = arith.constant 0 : i32
    return %c0_i32, %c0_i32_0 : i32, i32
  }
  func.func @transform_3(%arg0: i32) -> (i32, i32) {
    %c0_i32 = arith.constant 0 : i32
    %c0_i32_0 = arith.constant 0 : i32
    %c0_i32_1 = arith.constant 0 : i32
    return %c0_i32, %c0_i32_0 : i32, i32
  }
  func.func @transform_4(%arg0: i32) -> (i32, i32) {
    %c0_i32 = arith.constant 0 : i32
    %c0_i32_0 = arith.constant 0 : i32
    return %arg0, %c0_i32 : i32, i32
  }
  func.func @transform_5(%arg0: i32) -> (i32, i32) {
    %c0_i32 = arith.constant 0 : i32
    %c0_i32_0 = arith.constant 0 : i32
    return %arg0, %c0_i32 : i32, i32
  }
}

module attributes {stable_mosaic.version = 14 : i64} {
  func.func @body(%arg0: i32, %arg1: memref<2x2000x128xf32, #tpu.memory_space<vmem>>, %arg2: memref<2000x2xf32, #tpu.memory_space<vmem>>, %arg3: memref<2000x128xf32, #tpu.memory_space<vmem>>, %arg4: memref<2000x128xf32, #tpu.memory_space<vmem>>) attributes {dimension_semantics = [#tpu.dimension_semantics<arbitrary>], iteration_bounds = array<i64: 5>, scalar_prefetch = 0 : i64, scratch_operands = 0 : i64, tpu.core_type = #tpu.core_type<tc>, window_params = [{transform_indices = @transform_0, window_bounds = array<i64: 2, 2000, 128>}, {transform_indices = @transform_1, window_bounds = array<i64: 2000, 2>}, {transform_indices = @transform_2, window_bounds = array<i64: 2000, 128>}, {transform_indices = @transform_3, window_bounds = array<i64: 2000, 128>}]} {
    %get3A = arith.constant 0 : index
    %get3A_0 = arith.constant 0 : index
    %get3A_1 = arith.constant 0 : index
    %get3A_2 = vector.load %arg1[%get3A, %get3A_0, %get3A_1] : memref<2x2000x128xf32, #tpu.memory_space<vmem>>, vector<1x2000x128xf32>
    %get3A_3 = vector.shape_cast %get3A_2 : vector<1x2000x128xf32> to vector<2000x128xf32>
    %get3A_4 = arith.constant 1 : index
    %get3A_5 = arith.constant 0 : index
    %get3A_6 = arith.constant 0 : index
    %get3A_7 = vector.load %arg1[%get3A_4, %get3A_5, %get3A_6] : memref<2x2000x128xf32, #tpu.memory_space<vmem>>, vector<1x2000x128xf32>
    %get3A_8 = vector.shape_cast %get3A_7 : vector<1x2000x128xf32> to vector<2000x128xf32>
    %add3A = arith.addf %get3A_3, %get3A_8 : vector<2000x128xf32>
    %get3A_9 = arith.constant 0 : index
    %get3A_10 = arith.constant 0 : index
    %get3A_11 = vector.load %arg2[%get3A_9, %get3A_10] : memref<2000x2xf32, #tpu.memory_space<vmem>>, vector<2000x2xf32>
    %slice3A = vector.extract_strided_slice %get3A_11 {offsets = [0, 0], sizes = [2000, 1], strides = [1, 1]} : vector<2000x2xf32> to vector<2000x1xf32>
    %slice3A_12 = vector.extract_strided_slice %get3A_11 {offsets = [0, 1], sizes = [2000, 1], strides = [1, 1]} : vector<2000x2xf32> to vector<2000x1xf32>
    %add3A_13 = arith.addf %slice3A, %slice3A_12 : vector<2000x1xf32>
    %max3A = arith.constant 1.000000e+00 : f32
    %max3A_14 = vector.broadcast %max3A : f32 to vector<2000x1xf32>
    %max3A_15 = arith.maximumf %add3A_13, %max3A_14 : vector<2000x1xf32>
    %div3A = arith.constant 1.000000e+00 : f32
    %div3A_16 = vector.broadcast %div3A : f32 to vector<2000x1xf32>
    %div3A_17 = arith.divf %div3A_16, %max3A_15 : vector<2000x1xf32>
    %mul3A = vector.broadcast %div3A_17 : vector<2000x1xf32> to vector<2000x128xf32>
    %mul3A_18 = arith.mulf %add3A, %mul3A : vector<2000x128xf32>
    %get3A_19 = arith.constant 0 : index
    %get3A_20 = arith.constant 0 : index
    %get3A_21 = vector.load %arg3[%get3A_19, %get3A_20] : memref<2000x128xf32, #tpu.memory_space<vmem>>, vector<2000x128xf32>
    %add3A_22 = arith.addf %mul3A_18, %get3A_21 : vector<2000x128xf32>
    %swap3A = arith.constant 0 : index
    %swap3A_23 = arith.constant 0 : index
    %swap3A_24 = vector.load %arg4[%swap3A, %swap3A_23] : memref<2000x128xf32, #tpu.memory_space<vmem>>, vector<2000x128xf32>
    tpu.vector_store %arg4[%swap3A, %swap3A_23], %add3A_22 {strides = array<i32>} : memref<2000x128xf32, #tpu.memory_space<vmem>>, vector<2000x128xf32>,
    return
  }
  func.func @transform_0(%arg0: i32) -> (i32, i32, i32) {
    %c0_i32 = arith.constant 0 : i32
    %c0_i32_0 = arith.constant 0 : i32
    %c0_i32_1 = arith.constant 0 : i32
    return %c0_i32, %arg0, %c0_i32_0 : i32, i32, i32
  }
  func.func @transform_1(%arg0: i32) -> (i32, i32) {
    %c0_i32 = arith.constant 0 : i32
    %c0_i32_0 = arith.constant 0 : i32
    return %arg0, %c0_i32 : i32, i32
  }
  func.func @transform_2(%arg0: i32) -> (i32, i32) {
    %c0_i32 = arith.constant 0 : i32
    %c0_i32_0 = arith.constant 0 : i32
    return %arg0, %c0_i32 : i32, i32
  }
  func.func @transform_3(%arg0: i32) -> (i32, i32) {
    %c0_i32 = arith.constant 0 : i32
    %c0_i32_0 = arith.constant 0 : i32
    return %arg0, %c0_i32 : i32, i32
  }
}

</mosaic_0001>

<sc_bundles>
// kernel: kernel.5.cloned.1.call-start
scs
__scs_entry_jumppad:
0x0: {  	(pc) =	sbr.rel $0x88, $3  }
0x1: {  	(tag) =	ssettag $0x0;
	lr =	simm.s32 $0x1  }
0x2: {  	[smem:$0x3F9A] =	sst lr;
	_ =	strace $0xD0000000  }
0x3: {  	_ = 	snop  }
0x4: {  	_ = 	snop  }
0x5: {  	_ = 	snop  }
0x6: {  	_ = 	snop  }
0x7: {  	_ = 	snop  }
__scs_overlays_trampoline_lowered:
0x8: {  	[smem:$0x3FA9] =	sst s0  }
0x9: {  	[smem:$0x3FAA] =	sst s1  }
0xa: {  	[smem:$0x3FAB] =	sst s2  }
0xb: {  	[smem:$0x3FAC] =	sst s3  }
0xc: {  	[smem:$0x3FAD] =	sst s4  }
0xd: {  	[smem:$0x3FAE] =	sst s5  }
0xe: {  	[smem:$0x3FAF] =	sst s6  }
0xf: {  	[smem:$0x3FB0] =	sst s7  }
0x10: {  	[smem:$0x3FB1] =	sst s8  }
0x11: {  	[smem:$0x3FB2] =	sst s9;
	s0 =	simm.s32 @!p0 $0x0  }
0x12: {  	s1 =	sld [smem:$0x3F98];
	s0 =	simm.s32 @p0 $0x1  }
0x13: {  	[smem:$0x3FB3] =	sst s0;
	s0 =	simm.s32 @!p1 $0x0  }
0x14: {  	s2 =	sld [smem:$0x3F97];
	s0 =	simm.s32 @p1 $0x1  }
0x15: {  	[smem:$0x3FB4] =	sst s0;
	s0 =	simm.s32 @!p2 $0x0  }
0x16: {  	s3 =	sld [smem:$0x3FDB];
	s0 =	simm.s32 @p2 $0x1  }
0x17: {  	s4 =	simm.s32 $0x1BF5;
	[smem:$0x3FB6] =	sst s0  }
0x18: {  	s0 =	sld [smem:$0x3F99];
	_ =	swait.ge [sflag:s4], $0x0  }
0x19: {  	s7 =	sld [smem:$0x3F9A]  }
0x1a: {  	s8 =	sadd.s32 $0xFFFFE003, lr  }
0x1b: {  	s9 =	sadd.s32 $0xFFFFFEF7, lr;
	s5 =	simm.s32 $0xFFFFFFFF;
	p2 =	slt.u32 s8, $0xFFFFF086  }
0x1c: {  	p1 =	slt.u32 s9, $0xF7A;
	s5 =	simm.s32 @!p2 $0x0  }
0x1d: {  	s5 =	simm.s32 @p1 $0x1;
	p0 =	seq.s32 s7, s2  }
0x1e: {  	s7 =	smul.u32 @!p0 $0xF7A, s2;
	p2 =	seq.s32 @!p0 s5, $0x0  }
0x1f: {  	s9 =	smul.u32 $0xF7A, s1;
	s8 =	simm.s32 @!p0 $0x1BF5;
	p2 =	por !p2, p0  }
0x20: {  	[sflag:s8] =	ssyncset.s32 @!p0 $0xFFFFF086;
	s6 =	sadd.s32 @!p0 s3, s7;
	s7 =	simm.s32 @!p0 $0x108  }
0x21: {  	s3 =	sadd.s32 s3, s9;
	s6 =	sadd.s32 @!p0 $0x88, s6;
	s7 =	simm.s32 @p2 $0x1082  }
0x22: {  	[simem:s7], [sflag:s8] =	dma.local @!p0 [hbm:s6], $0xF7A  }
0x23: {  	s9 =	sor.u32 $0xD0000000, s2;
	s6 =	simm.s32 $0x108;
	_ =	swait.ge @!p0 [sflag:s8], $0x0  }
0x24: {  	s3 =	sadd.s32 $0x88, s3;
	s6 =	simm.s32 @!p1 $0x1082;
	[sflag:s4] =	ssyncset.s32 $0xFFFFF086  }
0x25: {  	[simem:s6], [sflag:s4] =	dma.local [hbm:s3], $0xF7A  }
0x26: {  	[smem:$0x3F9A] =	sst s1;
	(tag) =	ssettag s2;
	_ =	strace s9  }
0x27: {  	s1 =	sld [smem:$0x3FAA]  }
0x28: {  	s2 =	sld [smem:$0x3FAB]  }
0x29: {  	s4 =	sld [smem:$0x3FAD]  }
0x2a: {  	p0 =	seq.s32 s5, $0x0;
	s5 =	sld [smem:$0x3FAE]  }
0x2b: {  	s6 =	sld [smem:$0x3FAF]  }
0x2c: {  	s7 =	sld [smem:$0x3FB0]  }
0x2d: {  	s3 =	simm.s32 $0x108;
	s8 =	sld [smem:$0x3FB1]  }
0x2e: {  	s3 =	simm.s32 @!p0 $0x1082;
	s9 =	sld [smem:$0x3FB2]  }
0x2f: {  	lr =	sadd.s32 s0, s3;
	s0 =	sld [smem:$0x3FA9]  }
0x30: {  	s3 =	sld [smem:$0x3FAC]  }
0x31: {  	[smem:$0x3FB5] =	sst s10  }
0x32: {  	s10 =	sld [smem:$0x3FB3];
	_ =	sdelay $0x3  }
0x33: {  	p0 =	seq.s32 s10, $0x1;
	s10 =	sld [smem:$0x3FB5];
	_ =	sdelay $0x3  }
0x34: {  	[smem:$0x3FB5] =	sst s10  }
0x35: {  	s10 =	sld [smem:$0x3FB4];
	_ =	sdelay $0x3  }
0x36: {  	p1 =	seq.s32 s10, $0x1;
	s10 =	sld [smem:$0x3FB5];
	_ =	sdelay $0x3  }
0x37: {  	[smem:$0x3FB5] =	sst s10  }
0x38: {  	s10 =	sld [smem:$0x3FB6]  }
0x39: {  	_ = 	snop;
	(pc) =	sbr.ind lr, $3  }
0x3a: {  	_ = 	snop  }
0x3b: {  	_ = 	snop  }
0x3c: {  	p2 =	seq.s32 s10, $0x1;
	s10 =	sld [smem:$0x3FB5]  }
0x3d: {  	_ =	shalt  }
0x3e: {  	_ =	shalt  }
0x3f: {  	_ =	shalt  }
0x40: {  	_ =	shalt  }
0x41: {  	_ =	shalt  }
0x42: {  	_ =	shalt  }
0x43: {  	_ =	shalt  }
0x44: {  	_ =	shalt  }
0x45: {  	_ =	shalt  }
0x46: {  	_ =	shalt  }
0x47: {  	_ =	shalt  }
0x48: {  	_ =	shalt  }
0x49: {  	_ =	shalt  }
0x4a: {  	_ =	shalt  }
0x4b: {  	_ =	shalt  }
0x4c: {  	_ =	shalt  }
0x4d: {  	_ =	shalt  }
0x4e: {  	_ =	shalt  }
0x4f: {  	_ =	shalt  }
0x50: {  	_ =	shalt  }
0x51: {  	_ =	shalt  }
0x52: {  	_ =	shalt  }
0x53: {  	_ =	shalt  }
0x54: {  	_ =	shalt  }
0x55: {  	_ =	shalt  }
0x56: {  	_ =	shalt  }
0x57: {  	_ =	shalt  }
0x58: {  	_ =	shalt  }
0x59: {  	_ =	shalt  }
0x5a: {  	_ =	shalt  }
0x5b: {  	_ =	shalt  }
0x5c: {  	_ =	shalt  }
0x5d: {  	_ =	shalt  }
0x5e: {  	_ =	shalt  }
0x5f: {  	_ =	shalt  }
0x60: {  	_ =	shalt  }
0x61: {  	_ =	shalt  }
0x62: {  	_ =	shalt  }
0x63: {  	_ =	shalt  }
0x64: {  	_ =	shalt  }
0x65: {  	_ =	shalt  }
0x66: {  	_ =	shalt  }
0x67: {  	_ =	shalt  }
0x68: {  	_ =	shalt  }
0x69: {  	_ =	shalt  }
0x6a: {  	_ =	shalt  }
0x6b: {  	_ =	shalt  }
0x6c: {  	_ =	shalt  }
0x6d: {  	_ =	shalt  }
0x6e: {  	_ =	shalt  }
0x6f: {  	_ =	shalt  }
0x70: {  	_ =	shalt  }
0x71: {  	_ =	shalt  }
0x72: {  	_ =	shalt  }
0x73: {  	_ =	shalt  }
0x74: {  	_ =	shalt  }
0x75: {  	_ =	shalt  }
0x76: {  	_ =	shalt  }
0x77: {  	_ =	shalt  }
0x78: {  	_ =	shalt  }
0x79: {  	_ =	shalt  }
0x7a: {  	_ =	shalt  }
0x7b: {  	_ =	shalt  }
0x7c: {  	_ =	shalt  }
0x7d: {  	_ =	shalt  }
0x7e: {  	_ =	shalt  }
0x7f: {  	_ =	shalt  }
0x80: {  	_ =	shalt  }
0x81: {  	_ =	shalt  }
0x82: {  	_ =	shalt  }
0x83: {  	_ =	shalt  }
0x84: {  	_ =	shalt  }
0x85: {  	_ =	shalt  }
0x86: {  	_ =	shalt  }
0x87: {  	_ =	shalt  }
.Lfunc_end0:
.L_simem_size_0:
called_computation_lowered:
.L_overlay_start_0:
0x88: {  	s2 =	sld [smem:$0x3FD9]  }
0x89: {  	s3 =	sld [smem:$0x3FFE];
	_ =	sdelay $0x1  }
0x8a: {  	s1 =	srdreg.scid  }
0x8b: {  	s0 =	sand.u32 $0x1, s1  }
0x8c: {  	s17 =	sshll.u32 s0, $0xA;
	s2 =	sadd.s32 s3, s2  }
0x8d: {  	s2 =	sadd.s32 s2, s17  }
0x8e: {  	[smem:$0x3FC1] =	sst s2  }
0x8f: {  	_ = 	snop  }
0x90: {  	s2 =	sld [smem:$0x3FD0];
	(tm) =	ssettm $0x1  }
0x91: {  	s18 =	sld [smem:$0x3FFB];
	_ =	sdelay $0x3  }
0x92: {  	_ =	strace s18  }
0x93: {  	s3 =	sld [smem:$0x3FFC];
	_ =	sdelay $0x3  }
0x94: {  	_ =	strace s3  }
0x95: {  	s3 =	sld [smem:$0x3FFD];
	_ =	sdelay $0x3  }
0x96: {  	_ =	strace s3  }
0x97: {  	_ =	strace $0x8FFFFFFF  }
0x98: {  	s19 =	sld [smem:$0x3FDB];
	_ =	sdelay $0x1  }
0x99: {  	s4 =	simm.s32 $_scs_section_size  }
0x9a: {  	s5 =	simm.s32 $_size__tile_overlayer_lowered;
	s6 =	simm.s32 $_tile_overlayer_lowered  }
0x9b: {  	s22 =	simm.s32 $0x1BFF;
	s21 =	sshll.u32 s6, $0x1;
	s3 =	sadd.s32 s4, s19  }
0x9c: {  	s7 =	simm.s32 $0x0;
	s20 =	sshll.u32 s5, $0x1;
	s5 =	sadd.s32 s21, s3  }
0x9d: {  	[timem:s7], [sflag:s22] =	dma.local [hbm:s5], s20  }
0x9e: {  	_ =	swait.ge [sflag:s22], s20  }
0x9f: {  	s4 =	ssub.s32 $0x0, s20;
	[sflag:s22] =	ssyncset.done $0x0  }
0xa0: {  	[sflag:s22] =	ssyncadd.s32 s4;
	_ =	sdelay $0x1  }
0xa1: {  	s23 =	simm.s32 $0x1B8B  }
0xa2: {  	_ =	swait.ge [sflag:s23], $0x1  }
0xa3: {  	[sflag:s23] =	ssyncset.done $0x0  }
0xa4: {  	s25 =	simm.s32 $0x1B8E;
	s24 =	sld [smem:$0x3FFE];
	[sflag:s23] =	ssyncadd.s32 $0xFFFFFFFF  }
0xa5: {  	s26 =	simm.s32 $execute0_lowered;
	[smem:$0x3FD2] =	sst s25  }
0xa6: {  	s5 =	sshll.u32 s26, $0x1;
	_ =	strace $0x80000046;
	[dreg:$0x1] =	wrdreg $0xFFFFFFFF  }
0xa7: {  	s28 =	simm.s32 $_size_execute0_lowered;
	s3 =	sadd.s32 s3, s5;
	[dreg:$0x0] =	wrdreg $0x0  }
0xa8: {  	s5 =	sshll.u32 s28, $0x1;
	[dreg:$0x2] =	wrdreg s3  }
0xa9: {  	[dreg:$0x3] =	wrdreg s5  }
0xaa: {  	[dreg:$0x4] =	wrdreg $0xC0  }
0xab: {  	_ =	task [dreg:s7], $0x5FFFF  }
0xac: {  	[dreg:$0x1] =	wrdreg $0xFFFFFFFF  }
0xad: {  	[dreg:$0x0] =	wrdreg $0x60  }
0xae: {  	[dreg:$0x2] =	wrdreg s24  }
0xaf: {  	[dreg:$0x3] =	wrdreg s2  }
0xb0: {  	[dreg:$0x4] =	wrdreg $0x85000  }
0xb1: {  	[dreg:$0x5] =	wrdreg $0x1C5000  }
0xb2: {  	[dreg:$0x6] =	wrdreg $0x9  }
0xb3: {  	_ =	task.clear_ibuf [dreg:s7], $0x7FFFF;
	_ =	strace $0x90000046  }
0xb4: {  	s29 =	simm.s32 $0x9;
	_ =	strace $0x80000048  }
0xb5: {  	_ =	swait.ge [sflag:s29], $0x1  }
0xb6: {  	[sflag:s29] =	ssyncadd.s32 $0xFFFFFFFF  }
0xb7: {  	_ =	strace $0x90000048  }
0xb8: {  	_ =	sfence  }
0xb9: {  	s30 =	sld [smem:$0x0];
	_ =	sdelay $0x2  }
0xba: {  	s31 =	sshll.u32 s1, $0xD;
	s1 =	sshrl.u32 s1, $0x2  }
0xbb: {  	s3 =	sand.u32 $0x4000, s31;
	s1 =	sadd.s32 s1, s30  }
0xbc: {  	s0 =	sor.u32 s3, s0;
	s1 =	sshll.u32 s1, $0x11  }
0xbd: {  	s0 =	sor.u32 s1, s0  }
0xbe: {  	s0 =	sadd.s32 $0x8F2B, s0  }
0xbf: {  	[sflag:s0] =	ssyncadd.remote.s32 $0x1  }
0xc0: {  	_ =	sfence.sel $0xFFFF  }
0xc1: {  	[dreg:$0x0] =	wrdreg $0xFFFFFFFF;
	(pc) =	sbr.abs _section_cstart, $3  }
0xc2: {  	[dreg:$0x1] =	wrdreg $0xFFFFFFFF  }
0xc3: {  	_ =	task.clear_ibuf [dreg:s7], $0x2FFFF;
	_ =	strace $0x9FFFFFFF  }
0xc4: {  	(tm) =	ssettm $0x7FFFFFFF  }
0xc5: {  	_ =	shalt  }
tec
execute0_lowered:
.L_overlay_start_1:
0x0: {  	(tag) =	ssettag $0x1  }
0x1: {  	s0 =	rddreg [dreg:$0x0]  }
0x2: {  	s1 =	rddreg [dreg:$0x1]  }
0x3: {  	s2 =	rddreg [dreg:$0x2];
	s21 =	stileid.u32  }
0x4: {  	s3 =	rddreg [dreg:$0x3];
	s5 =	smul.u32 $0x22, s21  }
0x5: {  	s4 =	srdreg.scid;
	s28 =	simm.s32 $0x8100;
	s6 =	smul.u32 $0x7C, s21  }
0x6: {  	s29 =	simm.s32 $0x80;
	s30 =	simm.s32 $0x8080;
	s19 =	smul.u32 $0x500, s21  }
0x7: {  	s31 =	simm.s32 $0x8180;
	s9 =	sand.u32 $0x1, s4;
	s11 =	smul.u32 $0x280, s21  }
0x8: {  	s4 =	simm.s32 $0x0;
	s15 =	sadd.s32 $0xB000, s0;
	s8 =	smul.u32 $0x50000, s21  }
0x9: {  	s21 =	smul.u32 $0x14000, s21;
	p0 =	seq.s32 s9, $0x0;
	[smem:$0x7FF] =	sst s4  }
0xa: {  	s7 =	sshll.u32 s9, $0x7;
	s20 =	ssub.s32 $0x2, s9;
	s5 =	sadd.s32 $0x7C0, s5  }
0xb: {  	_ =	strace $0x80000047;
	s22 =	sshrl.u32 s20, $0x1;
	s10 =	sshll.u32 s11, $0x7  }
0xc: {  	s23 =	sshrl.u32 s8, $0x2;
	s11 =	sadd.s32 s11, s3;
	s5 =	smov.u32 @p0 s6  }
0xd: {  	s6 =	sor.u32 s7, s19;
	s16 =	ssub.s32 s20, s22;
	s14 =	sadd.s32 $0x4000, s10  }
0xe: {  	s17 =	sadd.s32 $0x8000, s10;
	s18 =	sadd.s32 $0xC000, s10;
	s19 =	smul.u32 $0x140000, s9  }
0xf: {  	s20 =	sadd.s32 $0x10000, s10;
	s12 =	sshll.u32 s5, $0x4;
	s5 =	sadd.s32 $0x139800, s0  }
0x10: {  	s6 =	sshrl.u32 s6, $0x3;
	s7 =	sadd.s32 s14, s2;
	s8 =	sadd.s32 s17, s2  }
0x11: {  	s9 =	sadd.s32 s18, s2;
	s10 =	sadd.s32 s20, s2;
	s13 =	sadd.s32 s12, s0  }
0x12: {  	s0 =	sadd.s32 s6, s0;
	s6 =	sadd.s32 s23, s2;
	s22 =	sadd.s32 s1, s12  }
0x13: {  	s25 =	sadd.s32 s21, s19;
	s26 =	sadd.s32 s19, s14;
	s14 =	simm.s32 $0x3E  }
0x14: {  	s21 =	sadd.s32 s19, s17;
	s23 =	sadd.s32 s19, s18;
	s24 =	sadd.s32 $0x1000, s13  }
0x15: {  	s1 =	sshrl.u32 s25, $0x3;
	s12 =	sshrl.u32 s26, $0x3;
	s14 =	simm.s32 @!p0 $0x11  }
0x16: {  	[dreg:$0x5] =	wrdreg s24;
	s1 =	sadd.s32 s15, s1;
	s12 =	sadd.s32 s15, s12  }
0x17: {  	s24 =	sadd.s32 s19, s20;
	s20 =	sadd.s32 $0x5B000, s0;
	[dreg:$0x6] =	wrdreg s1  }
0x18: {  	s19 =	smov.u32 s22;
	s0 =	simm.s32 $0x8200;
	[dreg:$0x7] =	wrdreg s12  }
0x19: {  	s1 =	sshrl.u32 s21, $0x3;
	s12 =	sshrl.u32 s23, $0x3;
	s17 =	sshrl.u32 s24, $0x3  }
0x1a: {  	s21 =	smax.u32 s16, $0x1;
	s16 =	sadd.s32 $0x20, s22;
	s1 =	sadd.s32 s15, s1  }
0x1b: {  	s24 =	simm.s32 $0x3;
	s25 =	sadd.s32 s15, s12;
	[dreg:$0x8] =	wrdreg s1  }
0x1c: {  	s26 =	sadd.s32 s15, s17;
	s12 =	sadd.s32 $0x1020, s13;
	[dreg:$0x9] =	wrdreg s25  }
0x1d: {  	s13 =	simm.s32 $0x2;
	s15 =	simm.s32 $0x0;
	[dreg:$0xa] =	wrdreg s26  }
0x1e: {  	v0 =	vimm.f32 $0.0e+00;
	v1 =	vimm.f32 $1.000000000e+00;
	s26 =	simm.s32 $0x8000;
	s1 =	simm.s32 $0x4000;
	s25 =	simm.s32 $0x1  }
.LBB2_1:
0x1f: {  	s17 =	simm.s32 $0x0;
	s22 =	simm.s32 $0x200  }
.LBB2_2:
0x20: {  	p0 =	sne.s32 s22, $0xFE00;
	[tilespmem:s17+$0x70] =	vst v0  }
0x21: {  	[tilespmem:s17+$0x0] =	vst v0  }
0x22: {  	[tilespmem:s17+$0x10] =	vst v0  }
.Ltmp0:
0x23: {  	[tilespmem:s17+$0x20] =	vst v0;
	(pc) =	sbr.rel @p0 .LBB2_2-.Ltmp0, $4  }
0x24: {  	[tilespmem:s17+$0x30] =	vst v0  }
0x25: {  	[tilespmem:s17+$0x40] =	vst v0  }
0x26: {  	[tilespmem:s17+$0x50] =	vst v0  }
0x27: {  	[tilespmem:s17+$0x60] =	vst v0;
	s17 =	sshra.s32 s22, $0x2;
	s22 =	sadd.s32 $0x200, s22  }
0x28: {  	[tilespmem:s17+$0x70] =	vst v0  }
0x29: {  	[tilespmem:s17+$0x0] =	vst v0  }
0x2a: {  	[tilespmem:s17+$0x10] =	vst v0  }
0x2b: {  	[tilespmem:s17+$0x20] =	vst v0  }
0x2c: {  	[tilespmem:s17+$0x30] =	vst v0  }
0x2d: {  	[tilespmem:s17+$0x40] =	vst v0  }
0x2e: {  	[tilespmem:s17+$0x50] =	vst v0  }
0x2f: {  	[tilespmem:s17+$0x60] =	vst v0  }
0x30: {  	[tilespmem:$0x8200] =	vst v1  }
0x31: {  	[tilespmem:$0x8210] =	vst v1  }
0x32: {  	[tilespmem:$0x8220] =	vst v1  }
0x33: {  	[tilespmem:$0x8230] =	vst v1  }
0x34: {  	[tilespmem:$0x8240] =	vst v1  }
0x35: {  	[tilespmem:$0x8250] =	vst v1  }
0x36: {  	[tilespmem:$0x8260] =	vst v1  }
0x37: {  	[tilespmem:$0x8270] =	vst v1  }
0x38: {  	[tilespmem:$0x8280] =	vst v0  }
0x39: {  	[tilespmem:$0x8290] =	vst v0  }
0x3a: {  	[tilespmem:$0x82A0] =	vst v0  }
0x3b: {  	[tilespmem:$0x82B0] =	vst v0  }
0x3c: {  	[tilespmem:$0x82C0] =	vst v0  }
0x3d: {  	[tilespmem:$0x82D0] =	vst v0  }
0x3e: {  	[tilespmem:$0x82E0] =	vst v0  }
0x3f: {  	[tilespmem:$0x82F0] =	vst v0  }
0x40: {  	[tilespmem:$0x8300] =	vst v0  }
0x41: {  	[tilespmem:$0x8310] =	vst v0  }
0x42: {  	[tilespmem:$0x8320] =	vst v0  }
0x43: {  	[tilespmem:$0x8330] =	vst v0  }
0x44: {  	[tilespmem:$0x8340] =	vst v0  }
0x45: {  	[tilespmem:$0x8350] =	vst v0  }
0x46: {  	[tilespmem:$0x8360] =	vst v0  }
0x47: {  	[tilespmem:$0x8370] =	vst v0  }
0x48: {  	[tilespmem:$0x8380] =	vst v0  }
0x49: {  	[tilespmem:$0x8390] =	vst v0  }
0x4a: {  	[tilespmem:$0x83A0] =	vst v0  }
0x4b: {  	[tilespmem:$0x83B0] =	vst v0  }
0x4c: {  	[tilespmem:$0x83C0] =	vst v0  }
0x4d: {  	[tilespmem:$0x83D0] =	vst v0  }
0x4e: {  	[tilespmem:$0x83E0] =	vst v0  }
0x4f: {  	[tilespmem:$0x83F0] =	vst v0  }
0x50: {  	[tilespmem:$0x8400] =	vst v0  }
0x51: {  	[tilespmem:$0x8410] =	vst v0  }
0x52: {  	[tilespmem:$0x8420] =	vst v0  }
0x53: {  	[tilespmem:$0x8430] =	vst v0  }
0x54: {  	[tilespmem:$0x8440] =	vst v0  }
0x55: {  	[tilespmem:$0x8450] =	vst v0  }
0x56: {  	[tilespmem:$0x8460] =	vst v0  }
0x57: {  	[tilespmem:$0x8470] =	vst v0  }
0x58: {  	[tilespmem:$0x8480] =	vst v0  }
0x59: {  	[tilespmem:$0x8490] =	vst v0  }
0x5a: {  	[tilespmem:$0x84A0] =	vst v0  }
0x5b: {  	[tilespmem:$0x84B0] =	vst v0  }
0x5c: {  	[tilespmem:$0x84C0] =	vst v0  }
0x5d: {  	[tilespmem:$0x84D0] =	vst v0  }
0x5e: {  	[tilespmem:$0x84E0] =	vst v0  }
0x5f: {  	[tilespmem:$0x84F0] =	vst v0  }
0x60: {  	[spmem:s6] =	stream.linear.scatter [tilespmem:s4], [sflag:$0x3], $0x4000, $0x38;
	[tilespmem:$0x1C780] =	vst v63  }
0x61: {  	_ =	swait.ge [sflag:s24], $0x4000  }
0x62: {  	[sflag:s24] =	ssyncset.done $0x0  }
0x63: {  	[sflag:s24] =	ssyncadd.s32 $0xFFFFC000  }
0x64: {  	[spmem:s7] =	stream.linear.scatter [tilespmem:s4], [sflag:$0x3], $0x4000, $0x38;
	[tilespmem:$0x1C780] =	vst v63  }
0x65: {  	_ =	swait.ge [sflag:s24], $0x4000  }
0x66: {  	[sflag:s24] =	ssyncset.done $0x0  }
0x67: {  	[sflag:s24] =	ssyncadd.s32 $0xFFFFC000  }
0x68: {  	[spmem:s8] =	stream.linear.scatter [tilespmem:s4], [sflag:$0x3], $0x4000, $0x38;
	[tilespmem:$0x1C780] =	vst v63  }
0x69: {  	_ =	swait.ge [sflag:s24], $0x4000  }
0x6a: {  	[sflag:s24] =	ssyncset.done $0x0  }
0x6b: {  	[sflag:s24] =	ssyncadd.s32 $0xFFFFC000  }
0x6c: {  	[spmem:s9] =	stream.linear.scatter [tilespmem:s4], [sflag:$0x3], $0x4000, $0x38;
	[tilespmem:$0x1C780] =	vst v63  }
0x6d: {  	_ =	swait.ge [sflag:s24], $0x4000  }
0x6e: {  	[sflag:s24] =	ssyncset.done $0x0  }
0x6f: {  	[sflag:s24] =	ssyncadd.s32 $0xFFFFC000  }
0x70: {  	[spmem:s10] =	stream.linear.scatter [tilespmem:s4], [sflag:$0x3], $0x4000, $0x38;
	[tilespmem:$0x1C780] =	vst v63  }
0x71: {  	_ =	swait.ge [sflag:s24], $0x4000  }
0x72: {  	[sflag:s24] =	ssyncset.done $0x0  }
0x73: {  	s22 =	simm.s32 $0x8280;
	[sflag:s24] =	ssyncadd.s32 $0xFFFFC000  }
0x74: {  	[spmem:s11] =	stream.linear.scatter [tilespmem:s22], [sflag:$0x3], $0x280, $0x38;
	[tilespmem:$0x1C780] =	vst v63  }
0x75: {  	_ =	swait.ge [sflag:s24], $0x280  }
0x76: {  	[sflag:s24] =	ssyncset.done $0x0  }
0x77: {  	[sflag:s24] =	ssyncadd.s32 $0xFFFFFD80  }
0x78: {  	[tilespmem:s26], [sflag:$0x3] =	stream.linear.gather [hbm4b:s19+s4], $0x80, $0x38;
	[tilespmem:$0x1C780] =	vst v63  }
0x79: {  	_ =	swait.ge [sflag:s24], $0x80  }
0x7a: {  	[sflag:s24] =	ssyncset.done $0x0  }
0x7b: {  	s23 =	rddreg [dreg:$0x5];
	[sflag:s24] =	ssyncadd.s32 $0xFFFFFF80  }
0x7c: {  	[tilespmem:s28], [sflag:$0x3] =	stream.linear.gather [hbm4b:s23+s4], $0x80, $0x38;
	[tilespmem:$0x1C780] =	vst v63  }
0x7d: {  	p1 =	sne.s32 s14, $0x1;
	_ =	swait.ge [sflag:s24], $0x80  }
.Ltmp1:
0x7e: {  	[sflag:s24] =	ssyncset.done $0x0;
	(pc) =	sbr.rel @!p1 .LBB2_7-.Ltmp1, $4  }
0x7f: {  	[sflag:s24] =	ssyncadd.s32 $0xFFFFFF80  }
0x80: {  	[tilespmem:s4], [sflag:$0x1] =	stream.indirect.gather [hbm4b:s5+s29], $0x80, s26, s29, $0xb8;
	[tilespmem:$0x1C780] =	vst v63  }
0x81: {  	s17 =	sadd.s32 $0xFFFFFFFF, s14;
	[bflag:$0x0] =	sbarrier.arrive $0xFFFF  }
0x82: {  	p0 =	por $0x0, $0x0;
	s22 =	smov.u32 s12;
	s23 =	smov.u32 s16  }
0x83: {  	s22 =	sadd.s32 $0xFFFFFFF0, s16  }
0x84: {  	[tilespmem:s30], [sflag:$0x3] =	stream.linear.gather [hbm4b:s22+s4], $0x80, $0x38;
	[tilespmem:$0x1C780] =	vst v63  }
0x85: {  	_ =	swait.ge [sflag:s24], $0x80  }
0x86: {  	[sflag:s24] =	ssyncset.done $0x0  }
0x87: {  	s23 =	sadd.s32 $0xFFFFFFF0, s12;
	[sflag:s24] =	ssyncadd.s32 $0xFFFFFF80  }
0x88: {  	[tilespmem:s31], [sflag:$0x3] =	stream.linear.gather [hbm4b:s23+s4], $0x80, $0x38;
	[tilespmem:$0x1C780] =	vst v63  }
0x89: {  	_ =	swait.ge [sflag:s24], $0x80  }
0x8a: {  	[sflag:s24] =	ssyncset.done $0x0  }
0x8b: {  	[sflag:s24] =	ssyncadd.s32 $0xFFFFFF80  }
0x8c: {  	[tilespmem:s1], [sflag:$0x2] =	stream.indirect.gather [hbm4b:s5+s29], $0x80, s30, s29, $0xb8;
	[tilespmem:$0x1C780] =	vst v63  }
0x8d: {  	_ =	swait.ge [sflag:s25], $0x4000  }
0x8e: {  	[sflag:s25] =	ssyncset.done $0x0  }
0x8f: {  	[sflag:s25] =	ssyncadd.s32 $0xFFFFC000  }
0x90: {  	[spmem:s2] =	stream.indirect.scatter.add.f32 [tilespmem:s4], [sflag:$0x3], $0x80, s28, s29, $0xb8;
	[tilespmem:$0x1C780] =	vst v63  }
0x91: {  	_ =	swait.ge [sflag:s24], $0x4000  }
0x92: {  	[sflag:s24] =	ssyncset.done $0x0  }
0x93: {  	[sflag:s24] =	ssyncadd.s32 $0xFFFFC000  }
0x94: {  	[spmem:s3] =	stream.indirect.scatter.add.f32 [tilespmem:s0], [sflag:$0x3], $0x1, s28, s29, $0xb8;
	[tilespmem:$0x1C780] =	vst v63  }
0x95: {  	_ =	swait.ge [sflag:s24], $0x80  }
0x96: {  	[sflag:s24] =	ssyncset.done $0x0  }
0x97: {  	[sflag:s24] =	ssyncadd.s32 $0xFFFFFF80  }
0x98: {  	[tilespmem:s26], [sflag:$0x3] =	stream.linear.gather [hbm4b:s16+s4], $0x80, $0x38;
	[tilespmem:$0x1C780] =	vst v63  }
0x99: {  	_ =	swait.ge [sflag:s24], $0x80  }
0x9a: {  	[sflag:s24] =	ssyncset.done $0x0  }
0x9b: {  	[sflag:s24] =	ssyncadd.s32 $0xFFFFFF80  }
0x9c: {  	[tilespmem:s28], [sflag:$0x3] =	stream.linear.gather [hbm4b:s12+s4], $0x80, $0x38;
	[tilespmem:$0x1C780] =	vst v63  }
0x9d: {  	_ =	swait.ge [sflag:s24], $0x80  }
0x9e: {  	[sflag:s24] =	ssyncset.done $0x0  }
0x9f: {  	[sflag:s24] =	ssyncadd.s32 $0xFFFFFF80  }
0xa0: {  	[tilespmem:s4], [sflag:$0x1] =	stream.indirect.gather [hbm4b:s5+s29], $0x80, s26, s29, $0xb8;
	[tilespmem:$0x1C780] =	vst v63  }
0xa1: {  	_ =	swait.ge [sflag:s13], $0x4000  }
0xa2: {  	[sflag:s13] =	ssyncset.done $0x0  }
0xa3: {  	[sflag:s13] =	ssyncadd.s32 $0xFFFFC000  }
0xa4: {  	[spmem:s2] =	stream.indirect.scatter.add.f32 [tilespmem:s1], [sflag:$0x3], $0x80, s31, s29, $0xb8;
	[tilespmem:$0x1C780] =	vst v63  }
0xa5: {  	p1 =	sne.s32 s17, $0x1;
	_ =	swait.ge [sflag:s24], $0x4000  }
.Ltmp2:
0xa6: {  	[sflag:s24] =	ssyncset.done $0x0;
	(pc) =	sbr.rel @!p1 .LBB2_5-.Ltmp2, $4  }
0xa7: {  	[sflag:s24] =	ssyncadd.s32 $0xFFFFC000  }
0xa8: {  	[spmem:s3] =	stream.indirect.scatter.add.f32 [tilespmem:s0], [sflag:$0x3], $0x1, s31, s29, $0xb8;
	[tilespmem:$0x1C780] =	vst v63  }
0xa9: {  	s17 =	sadd.s32 $0xFFFFFFFF, s17;
	p0 =	por $0x1, $0x1;
	_ =	swait.ge [sflag:s24], $0x80  }
0xaa: {  	s22 =	smov.u32 s12;
	s23 =	sadd.s32 $0x20, s16;
	[sflag:s24] =	ssyncset.done $0x0  }
.LBB2_6:
0xab: {  	s18 =	sadd.s32 $0xFFFFFFF0, s23;
	[sflag:s24] =	ssyncadd.s32 $0xFFFFFF80;
	s22 =	sadd.s32 $0x20, s22  }
0xac: {  	[tilespmem:s30], [sflag:$0x3] =	stream.linear.gather [hbm4b:s18+s4], $0x80, $0x38;
	[tilespmem:$0x1C780] =	vst v63  }
0xad: {  	p1 =	sne.s32 s17, $0x1;
	s17 =	sadd.s32 $0xFFFFFFFF, s17;
	_ =	swait.ge [sflag:s24], $0x80  }
0xae: {  	[sflag:s24] =	ssyncset.done $0x0  }
0xaf: {  	s18 =	sadd.s32 $0xFFFFFFF0, s22;
	[sflag:s24] =	ssyncadd.s32 $0xFFFFFF80  }
0xb0: {  	[tilespmem:s31], [sflag:$0x3] =	stream.linear.gather [hbm4b:s18+s4], $0x80, $0x38;
	[tilespmem:$0x1C780] =	vst v63  }
0xb1: {  	_ =	swait.ge [sflag:s24], $0x80  }
0xb2: {  	[sflag:s24] =	ssyncset.done $0x0  }
0xb3: {  	[sflag:s24] =	ssyncadd.s32 $0xFFFFFF80  }
0xb4: {  	[tilespmem:s1], [sflag:$0x2] =	stream.indirect.gather [hbm4b:s5+s29], $0x80, s30, s29, $0xb8;
	[tilespmem:$0x1C780] =	vst v63  }
0xb5: {  	_ =	swait.ge [sflag:s25], $0x4000  }
0xb6: {  	[sflag:s25] =	ssyncset.done $0x0  }
0xb7: {  	[sflag:s25] =	ssyncadd.s32 $0xFFFFC000  }
0xb8: {  	[spmem:s2] =	stream.indirect.scatter.add.f32 [tilespmem:s4], [sflag:$0x3], $0x80, s28, s29, $0xb8;
	[tilespmem:$0x1C780] =	vst v63  }
0xb9: {  	_ =	swait.ge [sflag:s24], $0x4000  }
0xba: {  	[sflag:s24] =	ssyncset.done $0x0  }
0xbb: {  	[sflag:s24] =	ssyncadd.s32 $0xFFFFC000  }
0xbc: {  	[spmem:s3] =	stream.indirect.scatter.add.f32 [tilespmem:s0], [sflag:$0x3], $0x1, s28, s29, $0xb8;
	[tilespmem:$0x1C780] =	vst v63  }
0xbd: {  	_ =	swait.ge [sflag:s24], $0x80  }
0xbe: {  	[sflag:s24] =	ssyncset.done $0x0  }
0xbf: {  	[sflag:s24] =	ssyncadd.s32 $0xFFFFFF80  }
0xc0: {  	[tilespmem:s26], [sflag:$0x3] =	stream.linear.gather [hbm4b:s23+s4], $0x80, $0x38;
	[tilespmem:$0x1C780] =	vst v63  }
0xc1: {  	_ =	swait.ge [sflag:s24], $0x80  }
0xc2: {  	[sflag:s24] =	ssyncset.done $0x0  }
0xc3: {  	[sflag:s24] =	ssyncadd.s32 $0xFFFFFF80  }
0xc4: {  	[tilespmem:s28], [sflag:$0x3] =	stream.linear.gather [hbm4b:s22+s4], $0x80, $0x38;
	[tilespmem:$0x1C780] =	vst v63  }
0xc5: {  	_ =	swait.ge [sflag:s24], $0x80  }
0xc6: {  	[sflag:s24] =	ssyncset.done $0x0  }
0xc7: {  	[sflag:s24] =	ssyncadd.s32 $0xFFFFFF80  }
0xc8: {  	[tilespmem:s4], [sflag:$0x1] =	stream.indirect.gather [hbm4b:s5+s29], $0x80, s26, s29, $0xb8;
	[tilespmem:$0x1C780] =	vst v63  }
0xc9: {  	_ =	swait.ge [sflag:s13], $0x4000  }
0xca: {  	[sflag:s13] =	ssyncset.done $0x0  }
0xcb: {  	[sflag:s13] =	ssyncadd.s32 $0xFFFFC000  }
0xcc: {  	[spmem:s2] =	stream.indirect.scatter.add.f32 [tilespmem:s1], [sflag:$0x3], $0x80, s31, s29, $0xb8;
	[tilespmem:$0x1C780] =	vst v63  }
0xcd: {  	_ =	swait.ge [sflag:s24], $0x4000  }
.Ltmp3:
0xce: {  	[sflag:s24] =	ssyncset.done $0x0;
	(pc) =	sbr.rel @p1 .LBB2_6-.Ltmp3, $4  }
0xcf: {  	[sflag:s24] =	ssyncadd.s32 $0xFFFFC000  }
0xd0: {  	[spmem:s3] =	stream.indirect.scatter.add.f32 [tilespmem:s0], [sflag:$0x3], $0x1, s31, s29, $0xb8;
	[tilespmem:$0x1C780] =	vst v63  }
0xd1: {  	_ =	swait.ge [sflag:s24], $0x80  }
0xd2: {  	s23 =	sadd.s32 $0x20, s23;
	[sflag:s24] =	ssyncset.done $0x0  }
.LBB2_7:
0xd3: {  	s17 =	sadd.s32 $0xFFFFFFF0, s23;
	[sflag:s24] =	ssyncadd.s32 @p0 $0xFFFFFF80  }
0xd4: {  	[tilespmem:s30], [sflag:$0x3] =	stream.linear.gather [hbm4b:s17+s4], $0x80, $0x38;
	[tilespmem:$0x1C780] =	vst v63  }
0xd5: {  	s18 =	smov.u32 s12;
	s17 =	sadd.s32 @p0 $0x20, s22;
	_ =	swait.ge [sflag:s24], $0x80  }
0xd6: {  	s18 =	smov.u32 @p0 s17;
	[sflag:s24] =	ssyncset.done $0x0  }
0xd7: {  	s17 =	sadd.s32 $0xFFFFFFF0, s18;
	[sflag:s24] =	ssyncadd.s32 $0xFFFFFF80  }
0xd8: {  	[tilespmem:s31], [sflag:$0x3] =	stream.linear.gather [hbm4b:s17+s4], $0x80, $0x38;
	[tilespmem:$0x1C780] =	vst v63  }
0xd9: {  	_ =	swait.ge [sflag:s24], $0x80  }
0xda: {  	[sflag:s24] =	ssyncset.done $0x0  }
0xdb: {  	[sflag:s24] =	ssyncadd.s32 $0xFFFFFF80  }
0xdc: {  	[tilespmem:s1], [sflag:$0x2] =	stream.indirect.gather [hbm4b:s5+s29], $0x80, s30, s29, $0xb8;
	[tilespmem:$0x1C780] =	vst v63  }
0xdd: {  	_ =	swait.ge [sflag:s25], $0x4000  }
0xde: {  	[sflag:s25] =	ssyncset.done $0x0  }
0xdf: {  	[sflag:s25] =	ssyncadd.s32 $0xFFFFC000  }
0xe0: {  	[spmem:s2] =	stream.indirect.scatter.add.f32 [tilespmem:s4], [sflag:$0x3], $0x80, s28, s29, $0xb8;
	[tilespmem:$0x1C780] =	vst v63  }
0xe1: {  	_ =	swait.ge [sflag:s24], $0x4000  }
0xe2: {  	[sflag:s24] =	ssyncset.done $0x0  }
0xe3: {  	[sflag:s24] =	ssyncadd.s32 $0xFFFFC000  }
0xe4: {  	[spmem:s3] =	stream.indirect.scatter.add.f32 [tilespmem:s0], [sflag:$0x3], $0x1, s28, s29, $0xb8;
	[tilespmem:$0x1C780] =	vst v63  }
0xe5: {  	_ =	swait.ge [sflag:s24], $0x80  }
0xe6: {  	[sflag:s24] =	ssyncset.done $0x0  }
0xe7: {  	[sflag:s24] =	ssyncadd.s32 $0xFFFFFF80  }
0xe8: {  	[tilespmem:s26], [sflag:$0x3] =	stream.linear.gather [hbm4b:s23+s4], $0x80, $0x38;
	[tilespmem:$0x1C780] =	vst v63  }
0xe9: {  	_ =	swait.ge [sflag:s24], $0x80  }
0xea: {  	[sflag:s24] =	ssyncset.done $0x0  }
0xeb: {  	[sflag:s24] =	ssyncadd.s32 $0xFFFFFF80  }
0xec: {  	[tilespmem:s28], [sflag:$0x3] =	stream.linear.gather [hbm4b:s18+s4], $0x80, $0x38;
	[tilespmem:$0x1C780] =	vst v63  }
0xed: {  	_ =	swait.ge [sflag:s24], $0x80  }
0xee: {  	[sflag:s24] =	ssyncset.done $0x0  }
0xef: {  	[sflag:s24] =	ssyncadd.s32 $0xFFFFFF80  }
0xf0: {  	[tilespmem:s4], [sflag:$0x1] =	stream.indirect.gather [hbm4b:s5+s29], $0x80, s26, s29, $0xb8;
	[tilespmem:$0x1C780] =	vst v63  }
0xf1: {  	_ =	swait.ge [sflag:s13], $0x4000  }
0xf2: {  	[sflag:s13] =	ssyncset.done $0x0  }
0xf3: {  	[sflag:s13] =	ssyncadd.s32 $0xFFFFC000  }
0xf4: {  	[spmem:s2] =	stream.indirect.scatter.add.f32 [tilespmem:s1], [sflag:$0x3], $0x80, s31, s29, $0xb8;
	[tilespmem:$0x1C780] =	vst v63  }
0xf5: {  	_ =	swait.ge [sflag:s24], $0x4000  }
0xf6: {  	[sflag:s24] =	ssyncset.done $0x0  }
0xf7: {  	[sflag:s24] =	ssyncadd.s32 $0xFFFFC000  }
0xf8: {  	[spmem:s3] =	stream.indirect.scatter.add.f32 [tilespmem:s0], [sflag:$0x3], $0x1, s31, s29, $0xb8;
	[tilespmem:$0x1C780] =	vst v63  }
0xf9: {  	_ =	swait.ge [sflag:s24], $0x80  }
0xfa: {  	[sflag:s24] =	ssyncset.done $0x0  }
0xfb: {  	[sflag:s24] =	ssyncadd.s32 $0xFFFFFF80  }
0xfc: {  	_ =	swait.ge [sflag:s25], $0x4000  }
0xfd: {  	[sflag:s25] =	ssyncset.done $0x0  }
0xfe: {  	s18 =	stileid.u32;
	[sflag:s25] =	ssyncadd.s32 $0xFFFFC000  }
0xff: {  	s17 =	sshll.u32 s18, $0x6;
	[bflag:$0x0] =	sbarrier.arrive $0xFFFF  }
0x100: {  	s22 =	sshrl.u32 s6, $0x3;
	s17 =	sor.u32 $0x1C03, s17;
	s23 =	rddreg [dreg:$0x6]  }
0x101: {  	[hbm:s23], [sflag:s17] =	dma.local [spmem:s22], $0x800  }
0x102: {  	_ =	swait.ge [sflag:s24], $0x800  }
0x103: {  	[sflag:s24] =	ssyncset.done $0x0  }
0x104: {  	s22 =	sshrl.u32 s7, $0x3;
	s23 =	rddreg [dreg:$0x7];
	[sflag:s24] =	ssyncadd.s32 $0xFFFFF800  }
0x105: {  	[hbm:s23], [sflag:s17] =	dma.local [spmem:s22], $0x800  }
0x106: {  	_ =	swait.ge [sflag:s24], $0x800  }
0x107: {  	[sflag:s24] =	ssyncset.done $0x0  }
0x108: {  	s22 =	sshrl.u32 s8, $0x3;
	s23 =	rddreg [dreg:$0x8];
	[sflag:s24] =	ssyncadd.s32 $0xFFFFF800  }
0x109: {  	[hbm:s23], [sflag:s17] =	dma.local [spmem:s22], $0x800  }
0x10a: {  	_ =	swait.ge [sflag:s24], $0x800  }
0x10b: {  	[sflag:s24] =	ssyncset.done $0x0  }
0x10c: {  	s22 =	sshrl.u32 s9, $0x3;
	s23 =	rddreg [dreg:$0x9];
	[sflag:s24] =	ssyncadd.s32 $0xFFFFF800  }
0x10d: {  	[hbm:s23], [sflag:s17] =	dma.local [spmem:s22], $0x800  }
0x10e: {  	_ =	swait.ge [sflag:s24], $0x800  }
0x10f: {  	[sflag:s24] =	ssyncset.done $0x0  }
0x110: {  	s22 =	sshrl.u32 s10, $0x3;
	s23 =	rddreg [dreg:$0xa];
	[sflag:s24] =	ssyncadd.s32 $0xFFFFF800  }
0x111: {  	[hbm:s23], [sflag:s17] =	dma.local [spmem:s22], $0x800  }
0x112: {  	s15 =	sadd.s32 $0x1, s15;
	_ =	swait.ge [sflag:s24], $0x800  }
0x113: {  	p0 =	sne.s32 s15, s21;
	s18 =	sshrl.u32 s11, $0x3;
	[sflag:s24] =	ssyncset.done $0x0  }
0x114: {  	s22 =	simm.s32 $0x20;
	s23 =	simm.s32 $0x10;
	[sflag:s24] =	ssyncadd.s32 $0xFFFFF800  }
0x115: {  	[hbm:s20@s22], [sflag:s17] =	dma.strided [spmem:s18@s23], $0x50, s25, $0x10   }
.Ltmp4:
0x116: {  	_ = 	snop;
	(pc) =	sbr.rel @p0 .LBB2_1-.Ltmp4, $4  }
.Ltmp5:
0x117: {  	_ = 	snop;
	(pc) =	sbr.rel @!p0 .LBB2_8-.Ltmp5, $4  }
0x118: {  	_ =	swait.ge [sflag:s24], $0x50  }
0x119: {  	[sflag:s24] =	ssyncset.done $0x0  }
0x11a: {  	[sflag:s24] =	ssyncadd.s32 $0xFFFFFFB0  }
0x11b: {  	_ = 	snop  }
.LBB2_5:
.Ltmp6:
0x11c: {  	(pc) =	sbr.rel .LBB2_7-.Ltmp6, $2  }
0x11d: {  	_ =	sdelay $0x2  }
0x11e: {  	s22 =	smov.u32 s12  }
.LBB2_8:
0x11f: {  	_ =	sfence.sel $0x180000  }
0x120: {  	[bflag:$0x0] =	sbarrier.arrive $0xFFFF  }
0x121: {  	_ =	strace $0x90000047  }
0x122: {  	s0 =	stileid.u32;
	[bflag:$0x2] =	sbarrier.arrive $0xFFFF  }
0x123: {  	p0 =	sne.s32 s0, $0x0;
	s0 =	rddreg [dreg:$0x4]  }
0x124: {  	s0 =	sadd.s32 @!p0 $0x100000, s0  }
0x125: {  	[sflag:s0] =	ssyncadd.tile.s32 @!p0 $0x1;
	_ =	shalt  }
.Lfunc_end2:
_tile_overlayer_lowered:
.L_overlay_start_2:
0x126: {  	(tag) =	ssettag $0x2  }
0x127: {  	s0 =	rddreg [dreg:$0x0];
	s2 =	stileid.u32  }
0x128: {  	s1 =	rddreg [dreg:$0x1];
	p0 =	sne.s32 s2, $0x0  }
0x129: {  	s3 =	rddreg [dreg:$0x2];
	[bflag:$0x3] =	sbarrier.arrive $0xFFFF;
	s2 =	simm.s32 @!p0 $0x1C03  }
0x12a: {  	[timem:s3], [sflag:s2] =	dma.local @!p0 [hbm:s0], s1  }
0x12b: {  	s0 =	simm.s32 @!p0 $0x3  }
0x12c: {  	_ =	swait.ge @!p0 [sflag:s0], s1  }
0x12d: {  	s1 =	ssub.s32 @!p0 $0x0, s1;
	[sflag:s0] =	ssyncset.done @!p0 $0x0  }
0x12e: {  	[sflag:s0] =	ssyncadd.s32 @!p0 s1  }
0x12f: {  	[bflag:$0x3] =	sbarrier.arrive $0xFFFF  }
0x130: {  	_ =	shalt  }

</sc_bundles>
